<compile_context>
chip_gen: v7x
topology: tpu7x:2x2x1
jax: 0.10.2.dev20260603
libtpu: 0.0.44.dev20260713+nightly
codegen_flags: <defaults>
</compile_context>

<pallas_src>
import dataclasses
import functools

import jax
import jax.numpy as jnp
from jax import lax
from jax.experimental import pallas as pl
from jax.experimental.pallas import tpu as pltpu
from jax.experimental.pallas import tpu_sc as plsc

N = 10000
D = 128
E = 320000
L = 3

NC = 2
NS = 16
NW = NC * NS
CH = 128
EDGES_PER_TILE = -(-E // NW)
NCHUNK = 2 * (-(-EDGES_PER_TILE // (2 * CH)))
EPT = NCHUNK * CH
EPAD = EPT * NW
SHIFT = 14
NP = NS * 640
DUMP = N
ROWS_PER_TILE = NP // NS

_mesh = plsc.VectorSubcoreMesh(core_axis_name="c", subcore_axis_name="s",
                               num_cores=NC, num_subcores=NS)


def _unpack_idx(pk_v, src_v, dst_v):
    @pl.loop(0, NCHUNK)
    def _(k):
        @pl.loop(0, CH // 16)
        def _(j):
            v = pk_v[k, pl.ds(j * 16, 16)]
            src_v[k, pl.ds(j * 16, 16)] = jnp.bitwise_and(v, (1 << SHIFT) - 1)
            dst_v[k, pl.ds(j * 16, 16)] = jnp.right_shift(v, SHIFT)


def _sc_body(h_hbm, pk_hbm, acc_hbm, pk_v, src_v, dst_v, rows0, rows1,
             acc_s, sem0, sem1):
    cid = lax.axis_index("c")
    sid = lax.axis_index("s")
    wid = cid * NS + sid

    @pl.loop(0, CH)
    def _(r):
        @pl.loop(0, D // 16)
        def _(c):
            rows0[r, pl.ds(c * 16, 16)] = jnp.zeros((16,), jnp.float32)

    row0 = sid * ROWS_PER_TILE

    @pl.loop(0, ROWS_PER_TILE // CH)
    def _(j):
        pltpu.sync_copy(rows0, acc_s.at[pl.ds(row0 + j * CH, CH)])

    plsc.subcore_barrier()

    pltpu.sync_copy(pk_hbm.at[wid], pk_v)
    _unpack_idx(pk_v, src_v, dst_v)

    @pl.loop(0, NCHUNK)
    def _(k):
        pltpu.async_copy(h_hbm.at[src_v.at[k]], rows0, sem0).wait()
        pltpu.sync_copy(rows0, acc_s.at[dst_v.at[k]], add=True)

    plsc.subcore_barrier()

    pltpu.sync_copy(acc_s.at[pl.ds(row0, ROWS_PER_TILE)],
                    acc_hbm.at[cid, pl.ds(row0, ROWS_PER_TILE)])


def _make_sc_kernel():
    scratch = [
        pltpu.VMEM((NCHUNK, CH), jnp.int32),
        pltpu.VMEM((NCHUNK, CH), jnp.int32),
        pltpu.VMEM((NCHUNK, CH), jnp.int32),
        pltpu.VMEM((CH, D), jnp.float32),
        pltpu.VMEM((CH, D), jnp.float32),
        pltpu.VMEM_SHARED((NP, D), jnp.float32),
        pltpu.SemaphoreType.DMA,
        pltpu.SemaphoreType.DMA,
    ]
    return pl.kernel(_sc_body,
                     out_type=[jax.ShapeDtypeStruct((NC, NP, D), jnp.float32)],
                     mesh=_mesh, scratch_types=scratch)


def _sc_deg_body(pk_hbm, deg_hbm, pk_v, hist_v):
    cid = lax.axis_index("c")
    sid = lax.axis_index("s")
    wid = cid * NS + sid

    @pl.loop(0, NP // 16)
    def _(j):
        hist_v[pl.ds(j * 16, 16)] = jnp.zeros((16,), jnp.float32)

    pltpu.sync_copy(pk_hbm.at[wid], pk_v)
    ones16 = jnp.ones((16,), jnp.float32)

    @pl.loop(0, EPT // 16)
    def _(j):
        v = pk_v[pl.ds(j * 16, 16)]
        plsc.addupdate_scatter(hist_v, [jnp.right_shift(v, SHIFT)], ones16)

    pltpu.sync_copy(hist_v, deg_hbm.at[wid])


def _make_sc_deg_kernel():
    scratch = [
        pltpu.VMEM((EPT,), jnp.int32),
        pltpu.VMEM((NP,), jnp.float32),
    ]
    cp = pltpu.CompilerParams()
    if "needs_layout_passes" in pltpu.CompilerParams.__dataclass_fields__:
        cp = dataclasses.replace(cp, needs_layout_passes=False)
    return pl.kernel(_sc_deg_body,
                     out_type=[jax.ShapeDtypeStruct((NW, NP), jnp.float32)],
                     mesh=_mesh, scratch_types=scratch,
                     compiler_params=cp)


def _tc_dense(acc, deg, h, w_self, w_neigh, bb, lnw, lnb):
    BR = 1000
    grid = (N // BR,)

    def body(acc_ref, deg_ref, h_ref, wn_ref, ws_ref, b_ref,
             lnw_ref, lnb_ref, o_ref):
        s = acc_ref[0] + acc_ref[1]
        dsum = jnp.sum(deg_ref[...], axis=1, keepdims=True)
        agg = s / jnp.maximum(dsum, 1.0)
        hh = h_ref[...]
        dn = (((1,), (1,)), ((), ()))
        out = lax.dot_general(agg, wn_ref[...], dn,
                              preferred_element_type=jnp.float32,
                              precision=lax.Precision.HIGHEST)
        out += lax.dot_general(hh, ws_ref[...], dn,
                               preferred_element_type=jnp.float32,
                               precision=lax.Precision.HIGHEST)
        out += b_ref[...]
        mu = jnp.mean(out, axis=-1, keepdims=True)
        xc = out - mu
        var = jnp.mean(xc * xc, axis=-1, keepdims=True)
        out = xc * lax.rsqrt(var + 1e-5) * lnw_ref[...] + lnb_ref[...]
        o_ref[...] = jnp.maximum(out, 0.0) + hh

    return pl.pallas_call(
        body,
        grid=grid,
        in_specs=[
            pl.BlockSpec((NC, BR, D), lambda i: (0, i, 0)),
            pl.BlockSpec((BR, NW), lambda i: (i, 0)),
            pl.BlockSpec((BR, D), lambda i: (i, 0)),
            pl.BlockSpec((D, D), lambda i: (0, 0)),
            pl.BlockSpec((D, D), lambda i: (0, 0)),
            pl.BlockSpec((1, D), lambda i: (0, 0)),
            pl.BlockSpec((1, D), lambda i: (0, 0)),
            pl.BlockSpec((1, D), lambda i: (0, 0)),
        ],
        out_specs=pl.BlockSpec((BR, D), lambda i: (i, 0)),
        out_shape=jax.ShapeDtypeStruct((N, D), jnp.float32),
    )(acc, deg, h, w_neigh, w_self, bb, lnw, lnb)


def kernel(x, edge_index, W_self, W_neigh, b, ln_w, ln_b):
    src = edge_index[0]
    dst = edge_index[1]
    pad = EPAD - E
    packed = jnp.bitwise_or(src, jnp.left_shift(dst, SHIFT))
    packed = jnp.concatenate(
        [packed, jnp.full((pad,), DUMP << SHIFT, jnp.int32)])

    scl = _make_sc_kernel()
    (degp,) = _make_sc_deg_kernel()(packed.reshape(NW, EPT))
    deg = degp.T
    pk3 = packed.reshape(NW, NCHUNK, CH)

    h = x
    for l in range(L):
        (acc,) = scl(h, pk3)
        h = _tc_dense(acc, deg, h,
                      W_self[l], W_neigh[l],
                      b[l].reshape(1, D),
                      ln_w[l].reshape(1, D),
                      ln_b[l].reshape(1, D))
    return h

# --- scband reference (transcript-rebuilt; emitter-appended) ---
"""Pipeline reference for scband-mpmodule-40209483825950 (READ-ONLY COPY).

The authoritative reference and input builder live on the scoring server;
editing this copy changes nothing except your own understanding.
"""

import jax, jax.numpy as jnp
import numpy as np

N = 10000
E = 320000
D = 128
L = 3


def _layer_norm(x, w, b):
    mu = jnp.mean(x, axis=-1, keepdims=True)
    var = jnp.var(x, axis=-1, keepdims=True)
    return (x - mu) / jnp.sqrt(var + 1e-5) * w + b


def setup_inputs(seed: int = 0) -> dict:
    key = jax.random.key(seed)
    ks = jax.random.split(key, 8)
    x = jax.random.normal(ks[0], (N, D), dtype=jnp.float32)
    edge_index = jax.random.randint(ks[1], (2, E), 0, N, dtype=jnp.int32)
    W_self = jax.random.normal(ks[2], (L, D, D), dtype=jnp.float32) * 0.05
    W_neigh = jax.random.normal(ks[3], (L, D, D), dtype=jnp.float32) * 0.05
    b = jax.random.normal(ks[4], (L, D), dtype=jnp.float32) * 0.01
    ln_w = jnp.ones((L, D), dtype=jnp.float32)
    ln_b = jnp.zeros((L, D), dtype=jnp.float32)
    return {"x": x, "edge_index": edge_index, "W_self": W_self, "W_neigh": W_neigh, "b": b, "ln_w": ln_w, "ln_b": ln_b}


def reference(x, edge_index, W_self, W_neigh, b, ln_w, ln_b):
    # MPModule with SAGEConv layers, LayerNorm(mode='node'), ReLU, dropout p=0 (inert),
    # residual_type='skipsum'. SAGEConv: out = lin_l(mean_agg(x_j)) + lin_r(x_i).
    src = edge_index[0]
    dst = edge_index[1]
    ones = jnp.ones((E,), dtype=jnp.float32)
    deg = jax.ops.segment_sum(ones, dst, num_segments=N)
    deg = jnp.maximum(deg, 1.0)[:, None]
    h = x
    for i in range(L):
        msgs = h[src]  # gather over edges
        agg = jax.ops.segment_sum(msgs, dst, num_segments=N) / deg  # scatter-add mean
        out = agg @ W_neigh[i].T + b[i] + h @ W_self[i].T
        out = _layer_norm(out, ln_w[i], ln_b[i])
        out = jax.nn.relu(out)
        h = out + h  # skipsum residual
    return h

if __name__ == "__main__":
    import jax
    _d = setup_inputs()
    print(jax.jit(kernel)(*tuple(_d.values())))

</pallas_src>

<mosaic_0001>
#map = affine_map<(d0, d1) -> (0, 0)>
#map1 = affine_map<(d0, d1) -> (0, 0, 0)>
module attributes {stable_mosaic.version = 14 : i64} {
  func.func @_sc_body(%arg0: i32, %arg1: i32, %arg2: memref<10000x128xf32, #tpu.memory_space<hbm>>, %arg3: memref<32x80x128xi32, #tpu.memory_space<hbm>>, %arg4: memref<2x10240x128xf32, #tpu.memory_space<hbm>>, %arg5: memref<80x128xi32, #tpu.memory_space<vmem>>, %arg6: memref<80x128xi32, #tpu.memory_space<vmem>>, %arg7: memref<80x128xi32, #tpu.memory_space<vmem>>, %arg8: memref<128x128xf32, #tpu.memory_space<vmem>>, %arg9: memref<128x128xf32, #tpu.memory_space<vmem>>, %arg10: memref<10240x128xf32, #tpu.memory_space<vmem_shared>>, %arg11: memref<!tpu.dma_semaphore, #tpu.memory_space<semaphore_mem>>, %arg12: memref<!tpu.dma_semaphore, #tpu.memory_space<semaphore_mem>>) attributes {dimension_semantics = [#tpu.dimension_semantics<core_parallel>, #tpu.dimension_semantics<subcore_parallel>], iteration_bounds = array<i64: 2, 16>, scalar_prefetch = 0 : i64, scratch_operands = 8 : i64, tpu.core_type = #tpu.core_type<sc_vector_subcore>, window_params = [{transform_indices = #map}, {transform_indices = #map1}, {transform_indices = #map1}]} {
    %mul3A = arith.constant 16 : i32
    %mul3A_0 = arith.muli %arg0, %mul3A : i32
    %add3A = arith.addi %mul3A_0, %arg1 : i32
    %scan3A = arith.constant 0 : i32
    %scan3A_1 = arith.constant 128 : i32
    %scan3A_2 = arith.addi %scan3A, %scan3A_1 : i32
    %scan3A_3 = arith.constant 1 : i32
    scf.for %scan3A_23 = %scan3A to %scan3A_2 step %scan3A_3  : i32 {
      %mul3A_24 = arith.constant 1 : i32
      %mul3A_25 = arith.muli %scan3A_23, %mul3A_24 : i32
      %add3A_26 = arith.constant 0 : i32
      %add3A_27 = arith.addi %add3A_26, %mul3A_25 : i32
      %scan3A_28 = arith.constant 0 : i32
      %scan3A_29 = arith.constant 8 : i32
      %scan3A_30 = arith.addi %scan3A_28, %scan3A_29 : i32
      %scan3A_31 = arith.constant 1 : i32
      scf.for %scan3A_33 = %scan3A_28 to %scan3A_30 step %scan3A_31  : i32 {
        %mul3A_34 = arith.constant 1 : i32
        %mul3A_35 = arith.muli %scan3A_33, %mul3A_34 : i32
        %add3A_36 = arith.constant 0 : i32
        %add3A_37 = arith.addi %add3A_36, %mul3A_35 : i32
        %broadcast_in_dim3A = arith.constant 0.000000e+00 : f32
        %broadcast_in_dim3A_38 = vector.broadcast %broadcast_in_dim3A : f32 to vector<16xf32>
        %mul3A_39 = arith.constant 16 : i32
        %mul3A_40 = arith.muli %add3A_37, %mul3A_39 : i32
        %swap3A = arith.index_cast %add3A_27 : i32 to index
        %swap3A_41 = arith.index_cast %mul3A_40 : i32 to index
        %swap3A_42 = tpu.vector_load %arg8[%swap3A, %swap3A_41] {strides = array<i32>} : memref<128x128xf32, #tpu.memory_space<vmem>>, vector<1x16xf32>,
        %swap3A_43 = vector.shape_cast %swap3A_42 : vector<1x16xf32> to vector<16xf32>
        %swap3A_44 = vector.shape_cast %broadcast_in_dim3A_38 : vector<16xf32> to vector<1x16xf32>
        tpu.vector_store %arg8[%swap3A, %swap3A_41], %swap3A_44 {strides = array<i32>} : memref<128x128xf32, #tpu.memory_space<vmem>>, vector<1x16xf32>,
      }
      %scan3A_32 = arith.constant 8 : i32
    }
    %scan3A_4 = arith.constant 128 : i32
    %mul3A_5 = arith.constant 640 : i32
    %mul3A_6 = arith.muli %arg1, %mul3A_5 : i32
    %scan3A_7 = arith.constant 0 : i32
    %scan3A_8 = arith.constant 5 : i32
    %scan3A_9 = arith.addi %scan3A_7, %scan3A_8 : i32
    %scan3A_10 = arith.constant 1 : i32
    scf.for %scan3A_23 = %scan3A_7 to %scan3A_9 step %scan3A_10  : i32 {
      %mul3A_24 = arith.constant 1 : i32
      %mul3A_25 = arith.muli %scan3A_23, %mul3A_24 : i32
      %add3A_26 = arith.constant 0 : i32
      %add3A_27 = arith.addi %add3A_26, %mul3A_25 : i32
      %mul3A_28 = arith.constant 128 : i32
      %mul3A_29 = arith.muli %add3A_27, %mul3A_28 : i32
      %add3A_30 = arith.addi %mul3A_6, %mul3A_29 : i32
      "tpu.region"() ({
        %run_scoped3A = tpu.sem_alloc : memref<!tpu.dma_semaphore, #tpu.memory_space<semaphore_mem>>
        %dma_start3A = arith.constant 0 : i32
        %dma_start3A_31 = tpu.memref_slice %arg10[%add3A_30, %dma_start3A] : memref<10240x128xf32, #tpu.memory_space<vmem_shared>> -> memref<128x128xf32, #tpu.memory_space<vmem_shared>>
        %dma_start3A_32 = arith.constant 0 : i32
        %dma_start3A_33 = tpu.memref_slice %arg10[%add3A_30, %dma_start3A_32] : memref<10240x128xf32, #tpu.memory_space<vmem_shared>> -> memref<128x128xf32, #tpu.memory_space<vmem_shared>>
        tpu.enqueue_dma source(%arg8 : memref<128x128xf32, #tpu.memory_space<vmem>>) target(%dma_start3A_33 : memref<128x128xf32, #tpu.memory_space<vmem_shared>>) target_semaphore(%run_scoped3A : memref<!tpu.dma_semaphore, #tpu.memory_space<semaphore_mem>>)
        %dma_wait3A = arith.constant 0 : i32
        %dma_wait3A_34 = tpu.memref_slice %arg10[%add3A_30, %dma_wait3A] : memref<10240x128xf32, #tpu.memory_space<vmem_shared>> -> memref<128x128xf32, #tpu.memory_space<vmem_shared>>
        %dma_wait3A_35 = arith.constant 0 : i32
        %dma_wait3A_36 = tpu.memref_slice %arg10[%add3A_30, %dma_wait3A_35] : memref<10240x128xf32, #tpu.memory_space<vmem_shared>> -> memref<128x128xf32, #tpu.memory_space<vmem_shared>>
        tpu.wait_dma2 semaphore(%run_scoped3A : memref<!tpu.dma_semaphore, #tpu.memory_space<semaphore_mem>>) src(%arg8 : memref<128x128xf32, #tpu.memory_space<vmem>>) dst(%dma_wait3A_36 : memref<128x128xf32, #tpu.memory_space<vmem_shared>>)
        tpu.yield
      }) : () -> ()
    }
    %scan3A_11 = arith.constant 5 : i32
    %barrier3A = arith.constant 0 : index
    tpu.barrier barrier_id(%barrier3A)
    "tpu.region"() ({
      %run_scoped3A = tpu.sem_alloc : memref<!tpu.dma_semaphore, #tpu.memory_space<semaphore_mem>>
      %dma_start3A = arith.constant 0 : i32
      %dma_start3A_23 = arith.constant 0 : i32
      %dma_start3A_24 = tpu.memref_slice %arg3[%add3A, %dma_start3A, %dma_start3A_23] : memref<32x80x128xi32, #tpu.memory_space<hbm>> -> memref<1x80x128xi32, #tpu.memory_space<hbm>>
      %dma_start3A_25 = tpu.memref_squeeze %dma_start3A_24 : memref<1x80x128xi32, #tpu.memory_space<hbm>> -> memref<80x128xi32, #tpu.memory_space<hbm>>
      %dma_start3A_26 = arith.constant 0 : i32
      %dma_start3A_27 = arith.constant 0 : i32
      %dma_start3A_28 = tpu.memref_slice %arg3[%add3A, %dma_start3A_26, %dma_start3A_27] : memref<32x80x128xi32, #tpu.memory_space<hbm>> -> memref<1x80x128xi32, #tpu.memory_space<hbm>>
      %dma_start3A_29 = tpu.memref_squeeze %dma_start3A_28 : memref<1x80x128xi32, #tpu.memory_space<hbm>> -> memref<80x128xi32, #tpu.memory_space<hbm>>
      tpu.enqueue_dma source(%dma_start3A_29 : memref<80x128xi32, #tpu.memory_space<hbm>>) target(%arg5 : memref<80x128xi32, #tpu.memory_space<vmem>>) target_semaphore(%run_scoped3A : memref<!tpu.dma_semaphore, #tpu.memory_space<semaphore_mem>>)
      %dma_wait3A = arith.constant 0 : i32
      %dma_wait3A_30 = arith.constant 0 : i32
      %dma_wait3A_31 = tpu.memref_slice %arg3[%add3A, %dma_wait3A, %dma_wait3A_30] : memref<32x80x128xi32, #tpu.memory_space<hbm>> -> memref<1x80x128xi32, #tpu.memory_space<hbm>>
      %dma_wait3A_32 = tpu.memref_squeeze %dma_wait3A_31 : memref<1x80x128xi32, #tpu.memory_space<hbm>> -> memref<80x128xi32, #tpu.memory_space<hbm>>
      %dma_wait3A_33 = arith.constant 0 : i32
      %dma_wait3A_34 = arith.constant 0 : i32
      %dma_wait3A_35 = tpu.memref_slice %arg3[%add3A, %dma_wait3A_33, %dma_wait3A_34] : memref<32x80x128xi32, #tpu.memory_space<hbm>> -> memref<1x80x128xi32, #tpu.memory_space<hbm>>
      %dma_wait3A_36 = tpu.memref_squeeze %dma_wait3A_35 : memref<1x80x128xi32, #tpu.memory_space<hbm>> -> memref<80x128xi32, #tpu.memory_space<hbm>>
      tpu.wait_dma2 semaphore(%run_scoped3A : memref<!tpu.dma_semaphore, #tpu.memory_space<semaphore_mem>>) src(%dma_wait3A_36 : memref<80x128xi32, #tpu.memory_space<hbm>>) dst(%arg5 : memref<80x128xi32, #tpu.memory_space<vmem>>)
      tpu.yield
    }) : () -> ()
    %scan3A_12 = arith.constant 0 : i32
    %scan3A_13 = arith.constant 80 : i32
    %scan3A_14 = arith.addi %scan3A_12, %scan3A_13 : i32
    %scan3A_15 = arith.constant 1 : i32
    scf.for %scan3A_23 = %scan3A_12 to %scan3A_14 step %scan3A_15  : i32 {
      %mul3A_24 = arith.constant 1 : i32
      %mul3A_25 = arith.muli %scan3A_23, %mul3A_24 : i32
      %add3A_26 = arith.constant 0 : i32
      %add3A_27 = arith.addi %add3A_26, %mul3A_25 : i32
      %scan3A_28 = arith.constant 0 : i32
      %scan3A_29 = arith.constant 8 : i32
      %scan3A_30 = arith.addi %scan3A_28, %scan3A_29 : i32
      %scan3A_31 = arith.constant 1 : i32
      scf.for %scan3A_33 = %scan3A_28 to %scan3A_30 step %scan3A_31  : i32 {
        %mul3A_34 = arith.constant 1 : i32
        %mul3A_35 = arith.muli %scan3A_33, %mul3A_34 : i32
        %add3A_36 = arith.constant 0 : i32
        %add3A_37 = arith.addi %add3A_36, %mul3A_35 : i32
        %mul3A_38 = arith.constant 16 : i32
        %mul3A_39 = arith.muli %add3A_37, %mul3A_38 : i32
        %get3A = arith.index_cast %add3A_27 : i32 to index
        %get3A_40 = arith.index_cast %mul3A_39 : i32 to index
        %get3A_41 = tpu.vector_load %arg5[%get3A, %get3A_40] {strides = array<i32>} : memref<80x128xi32, #tpu.memory_space<vmem>>, vector<1x16xi32>,
        %get3A_42 = vector.shape_cast %get3A_41 : vector<1x16xi32> to vector<16xi32>
        %and3A = arith.constant 16383 : i32
        %and3A_43 = vector.broadcast %and3A : i32 to vector<16xi32>
        %and3A_44 = arith.andi %get3A_42, %and3A_43 : vector<16xi32>
        %mul3A_45 = arith.constant 16 : i32
        %mul3A_46 = arith.muli %add3A_37, %mul3A_45 : i32
        %swap3A = arith.index_cast %add3A_27 : i32 to index
        %swap3A_47 = arith.index_cast %mul3A_46 : i32 to index
        %swap3A_48 = tpu.vector_load %arg6[%swap3A, %swap3A_47] {strides = array<i32>} : memref<80x128xi32, #tpu.memory_space<vmem>>, vector<1x16xi32>,
        %swap3A_49 = vector.shape_cast %swap3A_48 : vector<1x16xi32> to vector<16xi32>
        %swap3A_50 = vector.shape_cast %and3A_44 : vector<16xi32> to vector<1x16xi32>
        tpu.vector_store %arg6[%swap3A, %swap3A_47], %swap3A_50 {strides = array<i32>} : memref<80x128xi32, #tpu.memory_space<vmem>>, vector<1x16xi32>,
        %shift_right_arithmetic3A = arith.constant 14 : i32
        %shift_right_arithmetic3A_51 = vector.broadcast %shift_right_arithmetic3A : i32 to vector<16xi32>
        %shift_right_arithmetic3A_52 = arith.shrsi %get3A_42, %shift_right_arithmetic3A_51 : vector<16xi32>
        %mul3A_53 = arith.constant 16 : i32
        %mul3A_54 = arith.muli %add3A_37, %mul3A_53 : i32
        %swap3A_55 = arith.index_cast %add3A_27 : i32 to index
        %swap3A_56 = arith.index_cast %mul3A_54 : i32 to index
        %swap3A_57 = tpu.vector_load %arg7[%swap3A_55, %swap3A_56] {strides = array<i32>} : memref<80x128xi32, #tpu.memory_space<vmem>>, vector<1x16xi32>,
        %swap3A_58 = vector.shape_cast %swap3A_57 : vector<1x16xi32> to vector<16xi32>
        %swap3A_59 = vector.shape_cast %shift_right_arithmetic3A_52 : vector<16xi32> to vector<1x16xi32>
        tpu.vector_store %arg7[%swap3A_55, %swap3A_56], %swap3A_59 {strides = array<i32>} : memref<80x128xi32, #tpu.memory_space<vmem>>, vector<1x16xi32>,
      }
      %scan3A_32 = arith.constant 8 : i32
    }
    %scan3A_16 = arith.constant 80 : i32
    %scan3A_17 = arith.constant 0 : i32
    %scan3A_18 = arith.constant 80 : i32
    %scan3A_19 = arith.addi %scan3A_17, %scan3A_18 : i32
    %scan3A_20 = arith.constant 1 : i32
    scf.for %scan3A_23 = %scan3A_17 to %scan3A_19 step %scan3A_20  : i32 {
      %mul3A_24 = arith.constant 1 : i32
      %mul3A_25 = arith.muli %scan3A_23, %mul3A_24 : i32
      %add3A_26 = arith.constant 0 : i32
      %add3A_27 = arith.addi %add3A_26, %mul3A_25 : i32
      %dma_start3A = arith.constant 0 : i32
      %dma_start3A_28 = tpu.memref_slice %arg6[%add3A_27, %dma_start3A] : memref<80x128xi32, #tpu.memory_space<vmem>> -> memref<1x128xi32, #tpu.memory_space<vmem>>
      %dma_start3A_29 = tpu.memref_squeeze %dma_start3A_28 : memref<1x128xi32, #tpu.memory_space<vmem>> -> memref<128xi32, #tpu.memory_space<vmem>>
      %dma_start3A_30 = arith.constant 0 : i32
      %dma_start3A_31 = arith.constant 0 : i32
      %dma_start3A_32 = tpu.memref_slice %arg2[%dma_start3A_30, %dma_start3A_31] : memref<10000x128xf32, #tpu.memory_space<hbm>> -> memref<10000x128xf32, #tpu.memory_space<hbm>>
      tpu.enqueue_indirect_dma source(%dma_start3A_32 : memref<10000x128xf32, #tpu.memory_space<hbm>>) target(%arg8 : memref<128x128xf32, #tpu.memory_space<vmem>>) offsets(%dma_start3A_29 : memref<128xi32, #tpu.memory_space<vmem>>) semaphore(%arg11 : memref<!tpu.dma_semaphore, #tpu.memory_space<semaphore_mem>>)
      %dma_wait3A = arith.constant 0 : i32
      %dma_wait3A_33 = tpu.memref_slice %arg6[%add3A_27, %dma_wait3A] : memref<80x128xi32, #tpu.memory_space<vmem>> -> memref<1x128xi32, #tpu.memory_space<vmem>>
      %dma_wait3A_34 = tpu.memref_squeeze %dma_wait3A_33 : memref<1x128xi32, #tpu.memory_space<vmem>> -> memref<128xi32, #tpu.memory_space<vmem>>
      %dma_wait3A_35 = arith.constant 0 : i32
      %dma_wait3A_36 = arith.constant 0 : i32
      %dma_wait3A_37 = tpu.memref_slice %arg2[%dma_wait3A_35, %dma_wait3A_36] : memref<10000x128xf32, #tpu.memory_space<hbm>> -> memref<10000x128xf32, #tpu.memory_space<hbm>>
      tpu.wait_indirect_dma semaphore(%arg11 : memref<!tpu.dma_semaphore, #tpu.memory_space<semaphore_mem>>) src(%dma_wait3A_37 : memref<10000x128xf32, #tpu.memory_space<hbm>>) dst(%arg8 : memref<128x128xf32, #tpu.memory_space<vmem>>)
      "tpu.region"() ({
        %run_scoped3A = tpu.sem_alloc : memref<!tpu.dma_semaphore, #tpu.memory_space<semaphore_mem>>
        %dma_start3A_38 = arith.constant 0 : i32
        %dma_start3A_39 = tpu.memref_slice %arg7[%add3A_27, %dma_start3A_38] : memref<80x128xi32, #tpu.memory_space<vmem>> -> memref<1x128xi32, #tpu.memory_space<vmem>>
        %dma_start3A_40 = tpu.memref_squeeze %dma_start3A_39 : memref<1x128xi32, #tpu.memory_space<vmem>> -> memref<128xi32, #tpu.memory_space<vmem>>
        %dma_start3A_41 = arith.constant 0 : i32
        %dma_start3A_42 = arith.constant 0 : i32
        %dma_start3A_43 = tpu.memref_slice %arg10[%dma_start3A_41, %dma_start3A_42] : memref<10240x128xf32, #tpu.memory_space<vmem_shared>> -> memref<10240x128xf32, #tpu.memory_space<vmem_shared>>
        tpu.enqueue_indirect_dma source(%arg8 : memref<128x128xf32, #tpu.memory_space<vmem>>) target(%dma_start3A_43 : memref<10240x128xf32, #tpu.memory_space<vmem_shared>>) offsets(%dma_start3A_40 : memref<128xi32, #tpu.memory_space<vmem>>) semaphore(%run_scoped3A : memref<!tpu.dma_semaphore, #tpu.memory_space<semaphore_mem>>) {add = true}
        %dma_wait3A_44 = arith.constant 0 : i32
        %dma_wait3A_45 = tpu.memref_slice %arg7[%add3A_27, %dma_wait3A_44] : memref<80x128xi32, #tpu.memory_space<vmem>> -> memref<1x128xi32, #tpu.memory_space<vmem>>
        %dma_wait3A_46 = tpu.memref_squeeze %dma_wait3A_45 : memref<1x128xi32, #tpu.memory_space<vmem>> -> memref<128xi32, #tpu.memory_space<vmem>>
        %dma_wait3A_47 = arith.constant 0 : i32
        %dma_wait3A_48 = arith.constant 0 : i32
        %dma_wait3A_49 = tpu.memref_slice %arg10[%dma_wait3A_47, %dma_wait3A_48] : memref<10240x128xf32, #tpu.memory_space<vmem_shared>> -> memref<10240x128xf32, #tpu.memory_space<vmem_shared>>
        tpu.wait_indirect_dma semaphore(%run_scoped3A : memref<!tpu.dma_semaphore, #tpu.memory_space<semaphore_mem>>) src(%arg8 : memref<128x128xf32, #tpu.memory_space<vmem>>) dst(%dma_wait3A_49 : memref<10240x128xf32, #tpu.memory_space<vmem_shared>>)
        tpu.yield
      }) : () -> ()
    }
    %scan3A_21 = arith.constant 80 : i32
    %barrier3A_22 = arith.constant 0 : index
    tpu.barrier barrier_id(%barrier3A_22)
    "tpu.region"() ({
      %run_scoped3A = tpu.sem_alloc : memref<!tpu.dma_semaphore, #tpu.memory_space<semaphore_mem>>
      %dma_start3A = arith.constant 0 : i32
      %dma_start3A_23 = tpu.memref_slice %arg4[%arg0, %mul3A_6, %dma_start3A] : memref<2x10240x128xf32, #tpu.memory_space<hbm>> -> memref<1x640x128xf32, #tpu.memory_space<hbm>>
      %dma_start3A_24 = tpu.memref_squeeze %dma_start3A_23 : memref<1x640x128xf32, #tpu.memory_space<hbm>> -> memref<640x128xf32, #tpu.memory_space<hbm>>
      %dma_start3A_25 = arith.constant 0 : i32
      %dma_start3A_26 = tpu.memref_slice %arg10[%mul3A_6, %dma_start3A_25] : memref<10240x128xf32, #tpu.memory_space<vmem_shared>> -> memref<640x128xf32, #tpu.memory_space<vmem_shared>>
      tpu.enqueue_dma source(%dma_start3A_26 : memref<640x128xf32, #tpu.memory_space<vmem_shared>>) target(%dma_start3A_24 : memref<640x128xf32, #tpu.memory_space<hbm>>) target_semaphore(%run_scoped3A : memref<!tpu.dma_semaphore, #tpu.memory_space<semaphore_mem>>)
      %dma_wait3A = arith.constant 0 : i32
      %dma_wait3A_27 = tpu.memref_slice %arg4[%arg0, %mul3A_6, %dma_wait3A] : memref<2x10240x128xf32, #tpu.memory_space<hbm>> -> memref<1x640x128xf32, #tpu.memory_space<hbm>>
      %dma_wait3A_28 = tpu.memref_squeeze %dma_wait3A_27 : memref<1x640x128xf32, #tpu.memory_space<hbm>> -> memref<640x128xf32, #tpu.memory_space<hbm>>
      %dma_wait3A_29 = arith.constant 0 : i32
      %dma_wait3A_30 = tpu.memref_slice %arg10[%mul3A_6, %dma_wait3A_29] : memref<10240x128xf32, #tpu.memory_space<vmem_shared>> -> memref<640x128xf32, #tpu.memory_space<vmem_shared>>
      tpu.wait_dma2 semaphore(%run_scoped3A : memref<!tpu.dma_semaphore, #tpu.memory_space<semaphore_mem>>) src(%dma_wait3A_30 : memref<640x128xf32, #tpu.memory_space<vmem_shared>>) dst(%dma_wait3A_28 : memref<640x128xf32, #tpu.memory_space<hbm>>)
      tpu.yield
    }) : () -> ()
    return
  }
}

#map = affine_map<(d0, d1) -> (0, 0)>
#map1 = affine_map<(d0, d1) -> (0, 0, 0)>
module attributes {stable_mosaic.version = 14 : i64} {
  func.func @_sc_body(%arg0: i32, %arg1: i32, %arg2: memref<10000x128xf32, #tpu.memory_space<hbm>>, %arg3: memref<32x80x128xi32, #tpu.memory_space<hbm>>, %arg4: memref<2x10240x128xf32, #tpu.memory_space<hbm>>, %arg5: memref<80x128xi32, #tpu.memory_space<vmem>>, %arg6: memref<80x128xi32, #tpu.memory_space<vmem>>, %arg7: memref<80x128xi32, #tpu.memory_space<vmem>>, %arg8: memref<128x128xf32, #tpu.memory_space<vmem>>, %arg9: memref<128x128xf32, #tpu.memory_space<vmem>>, %arg10: memref<10240x128xf32, #tpu.memory_space<vmem_shared>>, %arg11: memref<!tpu.dma_semaphore, #tpu.memory_space<semaphore_mem>>, %arg12: memref<!tpu.dma_semaphore, #tpu.memory_space<semaphore_mem>>) attributes {dimension_semantics = [#tpu.dimension_semantics<core_parallel>, #tpu.dimension_semantics<subcore_parallel>], iteration_bounds = array<i64: 2, 16>, scalar_prefetch = 0 : i64, scratch_operands = 8 : i64, tpu.core_type = #tpu.core_type<sc_vector_subcore>, window_params = [{transform_indices = #map}, {transform_indices = #map1}, {transform_indices = #map1}]} {
    %mul3A = arith.constant 16 : i32
    %mul3A_0 = arith.muli %arg0, %mul3A : i32
    %add3A = arith.addi %mul3A_0, %arg1 : i32
    %scan3A = arith.constant 0 : i32
    %scan3A_1 = arith.constant 128 : i32
    %scan3A_2 = arith.addi %scan3A, %scan3A_1 : i32
    %scan3A_3 = arith.constant 1 : i32
    scf.for %scan3A_23 = %scan3A to %scan3A_2 step %scan3A_3  : i32 {
      %mul3A_24 = arith.constant 1 : i32
      %mul3A_25 = arith.muli %scan3A_23, %mul3A_24 : i32
      %add3A_26 = arith.constant 0 : i32
      %add3A_27 = arith.addi %add3A_26, %mul3A_25 : i32
      %scan3A_28 = arith.constant 0 : i32
      %scan3A_29 = arith.constant 8 : i32
      %scan3A_30 = arith.addi %scan3A_28, %scan3A_29 : i32
      %scan3A_31 = arith.constant 1 : i32
      scf.for %scan3A_33 = %scan3A_28 to %scan3A_30 step %scan3A_31  : i32 {
        %mul3A_34 = arith.constant 1 : i32
        %mul3A_35 = arith.muli %scan3A_33, %mul3A_34 : i32
        %add3A_36 = arith.constant 0 : i32
        %add3A_37 = arith.addi %add3A_36, %mul3A_35 : i32
        %broadcast_in_dim3A = arith.constant 0.000000e+00 : f32
        %broadcast_in_dim3A_38 = vector.broadcast %broadcast_in_dim3A : f32 to vector<16xf32>
        %mul3A_39 = arith.constant 16 : i32
        %mul3A_40 = arith.muli %add3A_37, %mul3A_39 : i32
        %swap3A = arith.index_cast %add3A_27 : i32 to index
        %swap3A_41 = arith.index_cast %mul3A_40 : i32 to index
        %swap3A_42 = tpu.vector_load %arg8[%swap3A, %swap3A_41] {strides = array<i32>} : memref<128x128xf32, #tpu.memory_space<vmem>>, vector<1x16xf32>,
        %swap3A_43 = vector.shape_cast %swap3A_42 : vector<1x16xf32> to vector<16xf32>
        %swap3A_44 = vector.shape_cast %broadcast_in_dim3A_38 : vector<16xf32> to vector<1x16xf32>
        tpu.vector_store %arg8[%swap3A, %swap3A_41], %swap3A_44 {strides = array<i32>} : memref<128x128xf32, #tpu.memory_space<vmem>>, vector<1x16xf32>,
      }
      %scan3A_32 = arith.constant 8 : i32
    }
    %scan3A_4 = arith.constant 128 : i32
    %mul3A_5 = arith.constant 640 : i32
    %mul3A_6 = arith.muli %arg1, %mul3A_5 : i32
    %scan3A_7 = arith.constant 0 : i32
    %scan3A_8 = arith.constant 5 : i32
    %scan3A_9 = arith.addi %scan3A_7, %scan3A_8 : i32
    %scan3A_10 = arith.constant 1 : i32
    scf.for %scan3A_23 = %scan3A_7 to %scan3A_9 step %scan3A_10  : i32 {
      %mul3A_24 = arith.constant 1 : i32
      %mul3A_25 = arith.muli %scan3A_23, %mul3A_24 : i32
      %add3A_26 = arith.constant 0 : i32
      %add3A_27 = arith.addi %add3A_26, %mul3A_25 : i32
      %mul3A_28 = arith.constant 128 : i32
      %mul3A_29 = arith.muli %add3A_27, %mul3A_28 : i32
      %add3A_30 = arith.addi %mul3A_6, %mul3A_29 : i32
      "tpu.region"() ({
        %run_scoped3A = tpu.sem_alloc : memref<!tpu.dma_semaphore, #tpu.memory_space<semaphore_mem>>
        %dma_start3A = arith.constant 0 : i32
        %dma_start3A_31 = tpu.memref_slice %arg10[%add3A_30, %dma_start3A] : memref<10240x128xf32, #tpu.memory_space<vmem_shared>> -> memref<128x128xf32, #tpu.memory_space<vmem_shared>>
        %dma_start3A_32 = arith.constant 0 : i32
        %dma_start3A_33 = tpu.memref_slice %arg10[%add3A_30, %dma_start3A_32] : memref<10240x128xf32, #tpu.memory_space<vmem_shared>> -> memref<128x128xf32, #tpu.memory_space<vmem_shared>>
        tpu.enqueue_dma source(%arg8 : memref<128x128xf32, #tpu.memory_space<vmem>>) target(%dma_start3A_33 : memref<128x128xf32, #tpu.memory_space<vmem_shared>>) target_semaphore(%run_scoped3A : memref<!tpu.dma_semaphore, #tpu.memory_space<semaphore_mem>>)
        %dma_wait3A = arith.constant 0 : i32
        %dma_wait3A_34 = tpu.memref_slice %arg10[%add3A_30, %dma_wait3A] : memref<10240x128xf32, #tpu.memory_space<vmem_shared>> -> memref<128x128xf32, #tpu.memory_space<vmem_shared>>
        %dma_wait3A_35 = arith.constant 0 : i32
        %dma_wait3A_36 = tpu.memref_slice %arg10[%add3A_30, %dma_wait3A_35] : memref<10240x128xf32, #tpu.memory_space<vmem_shared>> -> memref<128x128xf32, #tpu.memory_space<vmem_shared>>
        tpu.wait_dma2 semaphore(%run_scoped3A : memref<!tpu.dma_semaphore, #tpu.memory_space<semaphore_mem>>) src(%arg8 : memref<128x128xf32, #tpu.memory_space<vmem>>) dst(%dma_wait3A_36 : memref<128x128xf32, #tpu.memory_space<vmem_shared>>)
        tpu.yield
      }) : () -> ()
    }
    %scan3A_11 = arith.constant 5 : i32
    %barrier3A = arith.constant 0 : index
    tpu.barrier barrier_id(%barrier3A)
    "tpu.region"() ({
      %run_scoped3A = tpu.sem_alloc : memref<!tpu.dma_semaphore, #tpu.memory_space<semaphore_mem>>
      %dma_start3A = arith.constant 0 : i32
      %dma_start3A_23 = arith.constant 0 : i32
      %dma_start3A_24 = tpu.memref_slice %arg3[%add3A, %dma_start3A, %dma_start3A_23] : memref<32x80x128xi32, #tpu.memory_space<hbm>> -> memref<1x80x128xi32, #tpu.memory_space<hbm>>
      %dma_start3A_25 = tpu.memref_squeeze %dma_start3A_24 : memref<1x80x128xi32, #tpu.memory_space<hbm>> -> memref<80x128xi32, #tpu.memory_space<hbm>>
      %dma_start3A_26 = arith.constant 0 : i32
      %dma_start3A_27 = arith.constant 0 : i32
      %dma_start3A_28 = tpu.memref_slice %arg3[%add3A, %dma_start3A_26, %dma_start3A_27] : memref<32x80x128xi32, #tpu.memory_space<hbm>> -> memref<1x80x128xi32, #tpu.memory_space<hbm>>
      %dma_start3A_29 = tpu.memref_squeeze %dma_start3A_28 : memref<1x80x128xi32, #tpu.memory_space<hbm>> -> memref<80x128xi32, #tpu.memory_space<hbm>>
      tpu.enqueue_dma source(%dma_start3A_29 : memref<80x128xi32, #tpu.memory_space<hbm>>) target(%arg5 : memref<80x128xi32, #tpu.memory_space<vmem>>) target_semaphore(%run_scoped3A : memref<!tpu.dma_semaphore, #tpu.memory_space<semaphore_mem>>)
      %dma_wait3A = arith.constant 0 : i32
      %dma_wait3A_30 = arith.constant 0 : i32
      %dma_wait3A_31 = tpu.memref_slice %arg3[%add3A, %dma_wait3A, %dma_wait3A_30] : memref<32x80x128xi32, #tpu.memory_space<hbm>> -> memref<1x80x128xi32, #tpu.memory_space<hbm>>
      %dma_wait3A_32 = tpu.memref_squeeze %dma_wait3A_31 : memref<1x80x128xi32, #tpu.memory_space<hbm>> -> memref<80x128xi32, #tpu.memory_space<hbm>>
      %dma_wait3A_33 = arith.constant 0 : i32
      %dma_wait3A_34 = arith.constant 0 : i32
      %dma_wait3A_35 = tpu.memref_slice %arg3[%add3A, %dma_wait3A_33, %dma_wait3A_34] : memref<32x80x128xi32, #tpu.memory_space<hbm>> -> memref<1x80x128xi32, #tpu.memory_space<hbm>>
      %dma_wait3A_36 = tpu.memref_squeeze %dma_wait3A_35 : memref<1x80x128xi32, #tpu.memory_space<hbm>> -> memref<80x128xi32, #tpu.memory_space<hbm>>
      tpu.wait_dma2 semaphore(%run_scoped3A : memref<!tpu.dma_semaphore, #tpu.memory_space<semaphore_mem>>) src(%dma_wait3A_36 : memref<80x128xi32, #tpu.memory_space<hbm>>) dst(%arg5 : memref<80x128xi32, #tpu.memory_space<vmem>>)
      tpu.yield
    }) : () -> ()
    %scan3A_12 = arith.constant 0 : i32
    %scan3A_13 = arith.constant 80 : i32
    %scan3A_14 = arith.addi %scan3A_12, %scan3A_13 : i32
    %scan3A_15 = arith.constant 1 : i32
    scf.for %scan3A_23 = %scan3A_12 to %scan3A_14 step %scan3A_15  : i32 {
      %mul3A_24 = arith.constant 1 : i32
      %mul3A_25 = arith.muli %scan3A_23, %mul3A_24 : i32
      %add3A_26 = arith.constant 0 : i32
      %add3A_27 = arith.addi %add3A_26, %mul3A_25 : i32
      %scan3A_28 = arith.constant 0 : i32
      %scan3A_29 = arith.constant 8 : i32
      %scan3A_30 = arith.addi %scan3A_28, %scan3A_29 : i32
      %scan3A_31 = arith.constant 1 : i32
      scf.for %scan3A_33 = %scan3A_28 to %scan3A_30 step %scan3A_31  : i32 {
        %mul3A_34 = arith.constant 1 : i32
        %mul3A_35 = arith.muli %scan3A_33, %mul3A_34 : i32
        %add3A_36 = arith.constant 0 : i32
        %add3A_37 = arith.addi %add3A_36, %mul3A_35 : i32
        %mul3A_38 = arith.constant 16 : i32
        %mul3A_39 = arith.muli %add3A_37, %mul3A_38 : i32
        %get3A = arith.index_cast %add3A_27 : i32 to index
        %get3A_40 = arith.index_cast %mul3A_39 : i32 to index
        %get3A_41 = tpu.vector_load %arg5[%get3A, %get3A_40] {strides = array<i32>} : memref<80x128xi32, #tpu.memory_space<vmem>>, vector<1x16xi32>,
        %get3A_42 = vector.shape_cast %get3A_41 : vector<1x16xi32> to vector<16xi32>
        %and3A = arith.constant 16383 : i32
        %and3A_43 = vector.broadcast %and3A : i32 to vector<16xi32>
        %and3A_44 = arith.andi %get3A_42, %and3A_43 : vector<16xi32>
        %mul3A_45 = arith.constant 16 : i32
        %mul3A_46 = arith.muli %add3A_37, %mul3A_45 : i32
        %swap3A = arith.index_cast %add3A_27 : i32 to index
        %swap3A_47 = arith.index_cast %mul3A_46 : i32 to index
        %swap3A_48 = tpu.vector_load %arg6[%swap3A, %swap3A_47] {strides = array<i32>} : memref<80x128xi32, #tpu.memory_space<vmem>>, vector<1x16xi32>,
        %swap3A_49 = vector.shape_cast %swap3A_48 : vector<1x16xi32> to vector<16xi32>
        %swap3A_50 = vector.shape_cast %and3A_44 : vector<16xi32> to vector<1x16xi32>
        tpu.vector_store %arg6[%swap3A, %swap3A_47], %swap3A_50 {strides = array<i32>} : memref<80x128xi32, #tpu.memory_space<vmem>>, vector<1x16xi32>,
        %shift_right_arithmetic3A = arith.constant 14 : i32
        %shift_right_arithmetic3A_51 = vector.broadcast %shift_right_arithmetic3A : i32 to vector<16xi32>
        %shift_right_arithmetic3A_52 = arith.shrsi %get3A_42, %shift_right_arithmetic3A_51 : vector<16xi32>
        %mul3A_53 = arith.constant 16 : i32
        %mul3A_54 = arith.muli %add3A_37, %mul3A_53 : i32
        %swap3A_55 = arith.index_cast %add3A_27 : i32 to index
        %swap3A_56 = arith.index_cast %mul3A_54 : i32 to index
        %swap3A_57 = tpu.vector_load %arg7[%swap3A_55, %swap3A_56] {strides = array<i32>} : memref<80x128xi32, #tpu.memory_space<vmem>>, vector<1x16xi32>,
        %swap3A_58 = vector.shape_cast %swap3A_57 : vector<1x16xi32> to vector<16xi32>
        %swap3A_59 = vector.shape_cast %shift_right_arithmetic3A_52 : vector<16xi32> to vector<1x16xi32>
        tpu.vector_store %arg7[%swap3A_55, %swap3A_56], %swap3A_59 {strides = array<i32>} : memref<80x128xi32, #tpu.memory_space<vmem>>, vector<1x16xi32>,
      }
      %scan3A_32 = arith.constant 8 : i32
    }
    %scan3A_16 = arith.constant 80 : i32
    %scan3A_17 = arith.constant 0 : i32
    %scan3A_18 = arith.constant 80 : i32
    %scan3A_19 = arith.addi %scan3A_17, %scan3A_18 : i32
    %scan3A_20 = arith.constant 1 : i32
    scf.for %scan3A_23 = %scan3A_17 to %scan3A_19 step %scan3A_20  : i32 {
      %mul3A_24 = arith.constant 1 : i32
      %mul3A_25 = arith.muli %scan3A_23, %mul3A_24 : i32
      %add3A_26 = arith.constant 0 : i32
      %add3A_27 = arith.addi %add3A_26, %mul3A_25 : i32
      %dma_start3A = arith.constant 0 : i32
      %dma_start3A_28 = tpu.memref_slice %arg6[%add3A_27, %dma_start3A] : memref<80x128xi32, #tpu.memory_space<vmem>> -> memref<1x128xi32, #tpu.memory_space<vmem>>
      %dma_start3A_29 = tpu.memref_squeeze %dma_start3A_28 : memref<1x128xi32, #tpu.memory_space<vmem>> -> memref<128xi32, #tpu.memory_space<vmem>>
      %dma_start3A_30 = arith.constant 0 : i32
      %dma_start3A_31 = arith.constant 0 : i32
      %dma_start3A_32 = tpu.memref_slice %arg2[%dma_start3A_30, %dma_start3A_31] : memref<10000x128xf32, #tpu.memory_space<hbm>> -> memref<10000x128xf32, #tpu.memory_space<hbm>>
      tpu.enqueue_indirect_dma source(%dma_start3A_32 : memref<10000x128xf32, #tpu.memory_space<hbm>>) target(%arg8 : memref<128x128xf32, #tpu.memory_space<vmem>>) offsets(%dma_start3A_29 : memref<128xi32, #tpu.memory_space<vmem>>) semaphore(%arg11 : memref<!tpu.dma_semaphore, #tpu.memory_space<semaphore_mem>>)
      %dma_wait3A = arith.constant 0 : i32
      %dma_wait3A_33 = tpu.memref_slice %arg6[%add3A_27, %dma_wait3A] : memref<80x128xi32, #tpu.memory_space<vmem>> -> memref<1x128xi32, #tpu.memory_space<vmem>>
      %dma_wait3A_34 = tpu.memref_squeeze %dma_wait3A_33 : memref<1x128xi32, #tpu.memory_space<vmem>> -> memref<128xi32, #tpu.memory_space<vmem>>
      %dma_wait3A_35 = arith.constant 0 : i32
      %dma_wait3A_36 = arith.constant 0 : i32
      %dma_wait3A_37 = tpu.memref_slice %arg2[%dma_wait3A_35, %dma_wait3A_36] : memref<10000x128xf32, #tpu.memory_space<hbm>> -> memref<10000x128xf32, #tpu.memory_space<hbm>>
      tpu.wait_indirect_dma semaphore(%arg11 : memref<!tpu.dma_semaphore, #tpu.memory_space<semaphore_mem>>) src(%dma_wait3A_37 : memref<10000x128xf32, #tpu.memory_space<hbm>>) dst(%arg8 : memref<128x128xf32, #tpu.memory_space<vmem>>)
      "tpu.region"() ({
        %run_scoped3A = tpu.sem_alloc : memref<!tpu.dma_semaphore, #tpu.memory_space<semaphore_mem>>
        %dma_start3A_38 = arith.constant 0 : i32
        %dma_start3A_39 = tpu.memref_slice %arg7[%add3A_27, %dma_start3A_38] : memref<80x128xi32, #tpu.memory_space<vmem>> -> memref<1x128xi32, #tpu.memory_space<vmem>>
        %dma_start3A_40 = tpu.memref_squeeze %dma_start3A_39 : memref<1x128xi32, #tpu.memory_space<vmem>> -> memref<128xi32, #tpu.memory_space<vmem>>
        %dma_start3A_41 = arith.constant 0 : i32
        %dma_start3A_42 = arith.constant 0 : i32
        %dma_start3A_43 = tpu.memref_slice %arg10[%dma_start3A_41, %dma_start3A_42] : memref<10240x128xf32, #tpu.memory_space<vmem_shared>> -> memref<10240x128xf32, #tpu.memory_space<vmem_shared>>
        tpu.enqueue_indirect_dma source(%arg8 : memref<128x128xf32, #tpu.memory_space<vmem>>) target(%dma_start3A_43 : memref<10240x128xf32, #tpu.memory_space<vmem_shared>>) offsets(%dma_start3A_40 : memref<128xi32, #tpu.memory_space<vmem>>) semaphore(%run_scoped3A : memref<!tpu.dma_semaphore, #tpu.memory_space<semaphore_mem>>) {add = true}
        %dma_wait3A_44 = arith.constant 0 : i32
        %dma_wait3A_45 = tpu.memref_slice %arg7[%add3A_27, %dma_wait3A_44] : memref<80x128xi32, #tpu.memory_space<vmem>> -> memref<1x128xi32, #tpu.memory_space<vmem>>
        %dma_wait3A_46 = tpu.memref_squeeze %dma_wait3A_45 : memref<1x128xi32, #tpu.memory_space<vmem>> -> memref<128xi32, #tpu.memory_space<vmem>>
        %dma_wait3A_47 = arith.constant 0 : i32
        %dma_wait3A_48 = arith.constant 0 : i32
        %dma_wait3A_49 = tpu.memref_slice %arg10[%dma_wait3A_47, %dma_wait3A_48] : memref<10240x128xf32, #tpu.memory_space<vmem_shared>> -> memref<10240x128xf32, #tpu.memory_space<vmem_shared>>
        tpu.wait_indirect_dma semaphore(%run_scoped3A : memref<!tpu.dma_semaphore, #tpu.memory_space<semaphore_mem>>) src(%arg8 : memref<128x128xf32, #tpu.memory_space<vmem>>) dst(%dma_wait3A_49 : memref<10240x128xf32, #tpu.memory_space<vmem_shared>>)
        tpu.yield
      }) : () -> ()
    }
    %scan3A_21 = arith.constant 80 : i32
    %barrier3A_22 = arith.constant 0 : index
    tpu.barrier barrier_id(%barrier3A_22)
    "tpu.region"() ({
      %run_scoped3A = tpu.sem_alloc : memref<!tpu.dma_semaphore, #tpu.memory_space<semaphore_mem>>
      %dma_start3A = arith.constant 0 : i32
      %dma_start3A_23 = tpu.memref_slice %arg4[%arg0, %mul3A_6, %dma_start3A] : memref<2x10240x128xf32, #tpu.memory_space<hbm>> -> memref<1x640x128xf32, #tpu.memory_space<hbm>>
      %dma_start3A_24 = tpu.memref_squeeze %dma_start3A_23 : memref<1x640x128xf32, #tpu.memory_space<hbm>> -> memref<640x128xf32, #tpu.memory_space<hbm>>
      %dma_start3A_25 = arith.constant 0 : i32
      %dma_start3A_26 = tpu.memref_slice %arg10[%mul3A_6, %dma_start3A_25] : memref<10240x128xf32, #tpu.memory_space<vmem_shared>> -> memref<640x128xf32, #tpu.memory_space<vmem_shared>>
      tpu.enqueue_dma source(%dma_start3A_26 : memref<640x128xf32, #tpu.memory_space<vmem_shared>>) target(%dma_start3A_24 : memref<640x128xf32, #tpu.memory_space<hbm>>) target_semaphore(%run_scoped3A : memref<!tpu.dma_semaphore, #tpu.memory_space<semaphore_mem>>)
      %dma_wait3A = arith.constant 0 : i32
      %dma_wait3A_27 = tpu.memref_slice %arg4[%arg0, %mul3A_6, %dma_wait3A] : memref<2x10240x128xf32, #tpu.memory_space<hbm>> -> memref<1x640x128xf32, #tpu.memory_space<hbm>>
      %dma_wait3A_28 = tpu.memref_squeeze %dma_wait3A_27 : memref<1x640x128xf32, #tpu.memory_space<hbm>> -> memref<640x128xf32, #tpu.memory_space<hbm>>
      %dma_wait3A_29 = arith.constant 0 : i32
      %dma_wait3A_30 = tpu.memref_slice %arg10[%mul3A_6, %dma_wait3A_29] : memref<10240x128xf32, #tpu.memory_space<vmem_shared>> -> memref<640x128xf32, #tpu.memory_space<vmem_shared>>
      tpu.wait_dma2 semaphore(%run_scoped3A : memref<!tpu.dma_semaphore, #tpu.memory_space<semaphore_mem>>) src(%dma_wait3A_30 : memref<640x128xf32, #tpu.memory_space<vmem_shared>>) dst(%dma_wait3A_28 : memref<640x128xf32, #tpu.memory_space<hbm>>)
      tpu.yield
    }) : () -> ()
    return
  }
}

#map = affine_map<(d0, d1) -> (0, 0)>
module attributes {stable_mosaic.version = 14 : i64} {
  func.func @_sc_deg_body(%arg0: i32, %arg1: i32, %arg2: memref<32x10240xi32, #tpu.memory_space<hbm>>, %arg3: memref<32x10240xf32, #tpu.memory_space<hbm>>, %arg4: memref<10240xi32, #tpu.memory_space<vmem>>, %arg5: memref<10240xf32, #tpu.memory_space<vmem>>) attributes {dimension_semantics = [#tpu.dimension_semantics<core_parallel>, #tpu.dimension_semantics<subcore_parallel>], iteration_bounds = array<i64: 2, 16>, scalar_prefetch = 0 : i64, scratch_operands = 2 : i64, tpu.core_type = #tpu.core_type<sc_vector_subcore>, window_params = [{transform_indices = #map}, {transform_indices = #map}]} {
    %mul3A = arith.constant 16 : i32
    %mul3A_0 = arith.muli %arg0, %mul3A : i32
    %add3A = arith.addi %mul3A_0, %arg1 : i32
    %scan3A = arith.constant 0 : i32
    %scan3A_1 = arith.constant 640 : i32
    %scan3A_2 = arith.addi %scan3A, %scan3A_1 : i32
    %scan3A_3 = arith.constant 1 : i32
    scf.for %scan3A_11 = %scan3A to %scan3A_2 step %scan3A_3  : i32 {
      %mul3A_12 = arith.constant 1 : i32
      %mul3A_13 = arith.muli %scan3A_11, %mul3A_12 : i32
      %add3A_14 = arith.constant 0 : i32
      %add3A_15 = arith.addi %add3A_14, %mul3A_13 : i32
      %broadcast_in_dim3A_16 = arith.constant 0.000000e+00 : f32
      %broadcast_in_dim3A_17 = vector.broadcast %broadcast_in_dim3A_16 : f32 to vector<16xf32>
      %mul3A_18 = arith.constant 16 : i32
      %mul3A_19 = arith.muli %add3A_15, %mul3A_18 : i32
      %swap3A = arith.index_cast %mul3A_19 : i32 to index
      %swap3A_20 = tpu.vector_load %arg5[%swap3A] {strides = array<i32>} : memref<10240xf32, #tpu.memory_space<vmem>>, vector<16xf32>,
      tpu.vector_store %arg5[%swap3A], %broadcast_in_dim3A_17 {strides = array<i32>} : memref<10240xf32, #tpu.memory_space<vmem>>, vector<16xf32>,
    }
    %scan3A_4 = arith.constant 640 : i32
    "tpu.region"() ({
      %run_scoped3A = tpu.sem_alloc : memref<!tpu.dma_semaphore, #tpu.memory_space<semaphore_mem>>
      %dma_start3A = arith.constant 0 : i32
      %dma_start3A_11 = tpu.memref_slice %arg2[%add3A, %dma_start3A] : memref<32x10240xi32, #tpu.memory_space<hbm>> -> memref<1x10240xi32, #tpu.memory_space<hbm>>
      %dma_start3A_12 = tpu.memref_squeeze %dma_start3A_11 : memref<1x10240xi32, #tpu.memory_space<hbm>> -> memref<10240xi32, #tpu.memory_space<hbm>>
      %dma_start3A_13 = arith.constant 0 : i32
      %dma_start3A_14 = tpu.memref_slice %arg2[%add3A, %dma_start3A_13] : memref<32x10240xi32, #tpu.memory_space<hbm>> -> memref<1x10240xi32, #tpu.memory_space<hbm>>
      %dma_start3A_15 = tpu.memref_squeeze %dma_start3A_14 : memref<1x10240xi32, #tpu.memory_space<hbm>> -> memref<10240xi32, #tpu.memory_space<hbm>>
      tpu.enqueue_dma source(%dma_start3A_15 : memref<10240xi32, #tpu.memory_space<hbm>>) target(%arg4 : memref<10240xi32, #tpu.memory_space<vmem>>) target_semaphore(%run_scoped3A : memref<!tpu.dma_semaphore, #tpu.memory_space<semaphore_mem>>)
      %dma_wait3A = arith.constant 0 : i32
      %dma_wait3A_16 = tpu.memref_slice %arg2[%add3A, %dma_wait3A] : memref<32x10240xi32, #tpu.memory_space<hbm>> -> memref<1x10240xi32, #tpu.memory_space<hbm>>
      %dma_wait3A_17 = tpu.memref_squeeze %dma_wait3A_16 : memref<1x10240xi32, #tpu.memory_space<hbm>> -> memref<10240xi32, #tpu.memory_space<hbm>>
      %dma_wait3A_18 = arith.constant 0 : i32
      %dma_wait3A_19 = tpu.memref_slice %arg2[%add3A, %dma_wait3A_18] : memref<32x10240xi32, #tpu.memory_space<hbm>> -> memref<1x10240xi32, #tpu.memory_space<hbm>>
      %dma_wait3A_20 = tpu.memref_squeeze %dma_wait3A_19 : memref<1x10240xi32, #tpu.memory_space<hbm>> -> memref<10240xi32, #tpu.memory_space<hbm>>
      tpu.wait_dma2 semaphore(%run_scoped3A : memref<!tpu.dma_semaphore, #tpu.memory_space<semaphore_mem>>) src(%dma_wait3A_20 : memref<10240xi32, #tpu.memory_space<hbm>>) dst(%arg4 : memref<10240xi32, #tpu.memory_space<vmem>>)
      tpu.yield
    }) : () -> ()
    %broadcast_in_dim3A = arith.constant 1.000000e+00 : f32
    %broadcast_in_dim3A_5 = vector.broadcast %broadcast_in_dim3A : f32 to vector<16xf32>
    %scan3A_6 = arith.constant 0 : i32
    %scan3A_7 = arith.constant 640 : i32
    %scan3A_8 = arith.addi %scan3A_6, %scan3A_7 : i32
    %scan3A_9 = arith.constant 1 : i32
    scf.for %scan3A_11 = %scan3A_6 to %scan3A_8 step %scan3A_9  : i32 {
      %mul3A_12 = arith.constant 1 : i32
      %mul3A_13 = arith.muli %scan3A_11, %mul3A_12 : i32
      %add3A_14 = arith.constant 0 : i32
      %add3A_15 = arith.addi %add3A_14, %mul3A_13 : i32
      %mul3A_16 = arith.constant 16 : i32
      %mul3A_17 = arith.muli %add3A_15, %mul3A_16 : i32
      %get3A = arith.index_cast %mul3A_17 : i32 to index
      %get3A_18 = tpu.vector_load %arg4[%get3A] {strides = array<i32>} : memref<10240xi32, #tpu.memory_space<vmem>>, vector<16xi32>,
      %shift_right_arithmetic3A = arith.constant 14 : i32
      %shift_right_arithmetic3A_19 = vector.broadcast %shift_right_arithmetic3A : i32 to vector<16xi32>
      %shift_right_arithmetic3A_20 = arith.shrsi %get3A_18, %shift_right_arithmetic3A_19 : vector<16xi32>
      tpu.vector_store_idx %arg5[%shift_right_arithmetic3A_20], %broadcast_in_dim3A_5 {add = true} : memref<10240xf32, #tpu.memory_space<vmem>>[vector<16xi32>], vector<16xf32>,
    }
    %scan3A_10 = arith.constant 640 : i32
    "tpu.region"() ({
      %run_scoped3A = tpu.sem_alloc : memref<!tpu.dma_semaphore, #tpu.memory_space<semaphore_mem>>
      %dma_start3A = arith.constant 0 : i32
      %dma_start3A_11 = tpu.memref_slice %arg3[%add3A, %dma_start3A] : memref<32x10240xf32, #tpu.memory_space<hbm>> -> memref<1x10240xf32, #tpu.memory_space<hbm>>
      %dma_start3A_12 = tpu.memref_squeeze %dma_start3A_11 : memref<1x10240xf32, #tpu.memory_space<hbm>> -> memref<10240xf32, #tpu.memory_space<hbm>>
      %dma_start3A_13 = arith.constant 0 : i32
      %dma_start3A_14 = tpu.memref_slice %arg3[%add3A, %dma_start3A_13] : memref<32x10240xf32, #tpu.memory_space<hbm>> -> memref<1x10240xf32, #tpu.memory_space<hbm>>
      %dma_start3A_15 = tpu.memref_squeeze %dma_start3A_14 : memref<1x10240xf32, #tpu.memory_space<hbm>> -> memref<10240xf32, #tpu.memory_space<hbm>>
      tpu.enqueue_dma source(%arg5 : memref<10240xf32, #tpu.memory_space<vmem>>) target(%dma_start3A_15 : memref<10240xf32, #tpu.memory_space<hbm>>) target_semaphore(%run_scoped3A : memref<!tpu.dma_semaphore, #tpu.memory_space<semaphore_mem>>)
      %dma_wait3A = arith.constant 0 : i32
      %dma_wait3A_16 = tpu.memref_slice %arg3[%add3A, %dma_wait3A] : memref<32x10240xf32, #tpu.memory_space<hbm>> -> memref<1x10240xf32, #tpu.memory_space<hbm>>
      %dma_wait3A_17 = tpu.memref_squeeze %dma_wait3A_16 : memref<1x10240xf32, #tpu.memory_space<hbm>> -> memref<10240xf32, #tpu.memory_space<hbm>>
      %dma_wait3A_18 = arith.constant 0 : i32
      %dma_wait3A_19 = tpu.memref_slice %arg3[%add3A, %dma_wait3A_18] : memref<32x10240xf32, #tpu.memory_space<hbm>> -> memref<1x10240xf32, #tpu.memory_space<hbm>>
      %dma_wait3A_20 = tpu.memref_squeeze %dma_wait3A_19 : memref<1x10240xf32, #tpu.memory_space<hbm>> -> memref<10240xf32, #tpu.memory_space<hbm>>
      tpu.wait_dma2 semaphore(%run_scoped3A : memref<!tpu.dma_semaphore, #tpu.memory_space<semaphore_mem>>) src(%arg5 : memref<10240xf32, #tpu.memory_space<vmem>>) dst(%dma_wait3A_20 : memref<10240xf32, #tpu.memory_space<hbm>>)
      tpu.yield
    }) : () -> ()
    return
  }
}

#map = affine_map<(d0, d1) -> (0, 0)>
#map1 = affine_map<(d0, d1) -> (0, 0, 0)>
module attributes {stable_mosaic.version = 14 : i64} {
  func.func @_sc_body(%arg0: i32, %arg1: i32, %arg2: memref<10000x128xf32, #tpu.memory_space<hbm>>, %arg3: memref<32x80x128xi32, #tpu.memory_space<hbm>>, %arg4: memref<2x10240x128xf32, #tpu.memory_space<hbm>>, %arg5: memref<80x128xi32, #tpu.memory_space<vmem>>, %arg6: memref<80x128xi32, #tpu.memory_space<vmem>>, %arg7: memref<80x128xi32, #tpu.memory_space<vmem>>, %arg8: memref<128x128xf32, #tpu.memory_space<vmem>>, %arg9: memref<128x128xf32, #tpu.memory_space<vmem>>, %arg10: memref<10240x128xf32, #tpu.memory_space<vmem_shared>>, %arg11: memref<!tpu.dma_semaphore, #tpu.memory_space<semaphore_mem>>, %arg12: memref<!tpu.dma_semaphore, #tpu.memory_space<semaphore_mem>>) attributes {dimension_semantics = [#tpu.dimension_semantics<core_parallel>, #tpu.dimension_semantics<subcore_parallel>], iteration_bounds = array<i64: 2, 16>, scalar_prefetch = 0 : i64, scratch_operands = 8 : i64, tpu.core_type = #tpu.core_type<sc_vector_subcore>, window_params = [{transform_indices = #map}, {transform_indices = #map1}, {transform_indices = #map1}]} {
    %mul3A = arith.constant 16 : i32
    %mul3A_0 = arith.muli %arg0, %mul3A : i32
    %add3A = arith.addi %mul3A_0, %arg1 : i32
    %scan3A = arith.constant 0 : i32
    %scan3A_1 = arith.constant 128 : i32
    %scan3A_2 = arith.addi %scan3A, %scan3A_1 : i32
    %scan3A_3 = arith.constant 1 : i32
    scf.for %scan3A_23 = %scan3A to %scan3A_2 step %scan3A_3  : i32 {
      %mul3A_24 = arith.constant 1 : i32
      %mul3A_25 = arith.muli %scan3A_23, %mul3A_24 : i32
      %add3A_26 = arith.constant 0 : i32
      %add3A_27 = arith.addi %add3A_26, %mul3A_25 : i32
      %scan3A_28 = arith.constant 0 : i32
      %scan3A_29 = arith.constant 8 : i32
      %scan3A_30 = arith.addi %scan3A_28, %scan3A_29 : i32
      %scan3A_31 = arith.constant 1 : i32
      scf.for %scan3A_33 = %scan3A_28 to %scan3A_30 step %scan3A_31  : i32 {
        %mul3A_34 = arith.constant 1 : i32
        %mul3A_35 = arith.muli %scan3A_33, %mul3A_34 : i32
        %add3A_36 = arith.constant 0 : i32
        %add3A_37 = arith.addi %add3A_36, %mul3A_35 : i32
        %broadcast_in_dim3A = arith.constant 0.000000e+00 : f32
        %broadcast_in_dim3A_38 = vector.broadcast %broadcast_in_dim3A : f32 to vector<16xf32>
        %mul3A_39 = arith.constant 16 : i32
        %mul3A_40 = arith.muli %add3A_37, %mul3A_39 : i32
        %swap3A = arith.index_cast %add3A_27 : i32 to index
        %swap3A_41 = arith.index_cast %mul3A_40 : i32 to index
        %swap3A_42 = tpu.vector_load %arg8[%swap3A, %swap3A_41] {strides = array<i32>} : memref<128x128xf32, #tpu.memory_space<vmem>>, vector<1x16xf32>,
        %swap3A_43 = vector.shape_cast %swap3A_42 : vector<1x16xf32> to vector<16xf32>
        %swap3A_44 = vector.shape_cast %broadcast_in_dim3A_38 : vector<16xf32> to vector<1x16xf32>
        tpu.vector_store %arg8[%swap3A, %swap3A_41], %swap3A_44 {strides = array<i32>} : memref<128x128xf32, #tpu.memory_space<vmem>>, vector<1x16xf32>,
      }
      %scan3A_32 = arith.constant 8 : i32
    }
    %scan3A_4 = arith.constant 128 : i32
    %mul3A_5 = arith.constant 640 : i32
    %mul3A_6 = arith.muli %arg1, %mul3A_5 : i32
    %scan3A_7 = arith.constant 0 : i32
    %scan3A_8 = arith.constant 5 : i32
    %scan3A_9 = arith.addi %scan3A_7, %scan3A_8 : i32
    %scan3A_10 = arith.constant 1 : i32
    scf.for %scan3A_23 = %scan3A_7 to %scan3A_9 step %scan3A_10  : i32 {
      %mul3A_24 = arith.constant 1 : i32
      %mul3A_25 = arith.muli %scan3A_23, %mul3A_24 : i32
      %add3A_26 = arith.constant 0 : i32
      %add3A_27 = arith.addi %add3A_26, %mul3A_25 : i32
      %mul3A_28 = arith.constant 128 : i32
      %mul3A_29 = arith.muli %add3A_27, %mul3A_28 : i32
      %add3A_30 = arith.addi %mul3A_6, %mul3A_29 : i32
      "tpu.region"() ({
        %run_scoped3A = tpu.sem_alloc : memref<!tpu.dma_semaphore, #tpu.memory_space<semaphore_mem>>
        %dma_start3A = arith.constant 0 : i32
        %dma_start3A_31 = tpu.memref_slice %arg10[%add3A_30, %dma_start3A] : memref<10240x128xf32, #tpu.memory_space<vmem_shared>> -> memref<128x128xf32, #tpu.memory_space<vmem_shared>>
        %dma_start3A_32 = arith.constant 0 : i32
        %dma_start3A_33 = tpu.memref_slice %arg10[%add3A_30, %dma_start3A_32] : memref<10240x128xf32, #tpu.memory_space<vmem_shared>> -> memref<128x128xf32, #tpu.memory_space<vmem_shared>>
        tpu.enqueue_dma source(%arg8 : memref<128x128xf32, #tpu.memory_space<vmem>>) target(%dma_start3A_33 : memref<128x128xf32, #tpu.memory_space<vmem_shared>>) target_semaphore(%run_scoped3A : memref<!tpu.dma_semaphore, #tpu.memory_space<semaphore_mem>>)
        %dma_wait3A = arith.constant 0 : i32
        %dma_wait3A_34 = tpu.memref_slice %arg10[%add3A_30, %dma_wait3A] : memref<10240x128xf32, #tpu.memory_space<vmem_shared>> -> memref<128x128xf32, #tpu.memory_space<vmem_shared>>
        %dma_wait3A_35 = arith.constant 0 : i32
        %dma_wait3A_36 = tpu.memref_slice %arg10[%add3A_30, %dma_wait3A_35] : memref<10240x128xf32, #tpu.memory_space<vmem_shared>> -> memref<128x128xf32, #tpu.memory_space<vmem_shared>>
        tpu.wait_dma2 semaphore(%run_scoped3A : memref<!tpu.dma_semaphore, #tpu.memory_space<semaphore_mem>>) src(%arg8 : memref<128x128xf32, #tpu.memory_space<vmem>>) dst(%dma_wait3A_36 : memref<128x128xf32, #tpu.memory_space<vmem_shared>>)
        tpu.yield
      }) : () -> ()
    }
    %scan3A_11 = arith.constant 5 : i32
    %barrier3A = arith.constant 0 : index
    tpu.barrier barrier_id(%barrier3A)
    "tpu.region"() ({
      %run_scoped3A = tpu.sem_alloc : memref<!tpu.dma_semaphore, #tpu.memory_space<semaphore_mem>>
      %dma_start3A = arith.constant 0 : i32
      %dma_start3A_23 = arith.constant 0 : i32
      %dma_start3A_24 = tpu.memref_slice %arg3[%add3A, %dma_start3A, %dma_start3A_23] : memref<32x80x128xi32, #tpu.memory_space<hbm>> -> memref<1x80x128xi32, #tpu.memory_space<hbm>>
      %dma_start3A_25 = tpu.memref_squeeze %dma_start3A_24 : memref<1x80x128xi32, #tpu.memory_space<hbm>> -> memref<80x128xi32, #tpu.memory_space<hbm>>
      %dma_start3A_26 = arith.constant 0 : i32
      %dma_start3A_27 = arith.constant 0 : i32
      %dma_start3A_28 = tpu.memref_slice %arg3[%add3A, %dma_start3A_26, %dma_start3A_27] : memref<32x80x128xi32, #tpu.memory_space<hbm>> -> memref<1x80x128xi32, #tpu.memory_space<hbm>>
      %dma_start3A_29 = tpu.memref_squeeze %dma_start3A_28 : memref<1x80x128xi32, #tpu.memory_space<hbm>> -> memref<80x128xi32, #tpu.memory_space<hbm>>
      tpu.enqueue_dma source(%dma_start3A_29 : memref<80x128xi32, #tpu.memory_space<hbm>>) target(%arg5 : memref<80x128xi32, #tpu.memory_space<vmem>>) target_semaphore(%run_scoped3A : memref<!tpu.dma_semaphore, #tpu.memory_space<semaphore_mem>>)
      %dma_wait3A = arith.constant 0 : i32
      %dma_wait3A_30 = arith.constant 0 : i32
      %dma_wait3A_31 = tpu.memref_slice %arg3[%add3A, %dma_wait3A, %dma_wait3A_30] : memref<32x80x128xi32, #tpu.memory_space<hbm>> -> memref<1x80x128xi32, #tpu.memory_space<hbm>>
      %dma_wait3A_32 = tpu.memref_squeeze %dma_wait3A_31 : memref<1x80x128xi32, #tpu.memory_space<hbm>> -> memref<80x128xi32, #tpu.memory_space<hbm>>
      %dma_wait3A_33 = arith.constant 0 : i32
      %dma_wait3A_34 = arith.constant 0 : i32
      %dma_wait3A_35 = tpu.memref_slice %arg3[%add3A, %dma_wait3A_33, %dma_wait3A_34] : memref<32x80x128xi32, #tpu.memory_space<hbm>> -> memref<1x80x128xi32, #tpu.memory_space<hbm>>
      %dma_wait3A_36 = tpu.memref_squeeze %dma_wait3A_35 : memref<1x80x128xi32, #tpu.memory_space<hbm>> -> memref<80x128xi32, #tpu.memory_space<hbm>>
      tpu.wait_dma2 semaphore(%run_scoped3A : memref<!tpu.dma_semaphore, #tpu.memory_space<semaphore_mem>>) src(%dma_wait3A_36 : memref<80x128xi32, #tpu.memory_space<hbm>>) dst(%arg5 : memref<80x128xi32, #tpu.memory_space<vmem>>)
      tpu.yield
    }) : () -> ()
    %scan3A_12 = arith.constant 0 : i32
    %scan3A_13 = arith.constant 80 : i32
    %scan3A_14 = arith.addi %scan3A_12, %scan3A_13 : i32
    %scan3A_15 = arith.constant 1 : i32
    scf.for %scan3A_23 = %scan3A_12 to %scan3A_14 step %scan3A_15  : i32 {
      %mul3A_24 = arith.constant 1 : i32
      %mul3A_25 = arith.muli %scan3A_23, %mul3A_24 : i32
      %add3A_26 = arith.constant 0 : i32
      %add3A_27 = arith.addi %add3A_26, %mul3A_25 : i32
      %scan3A_28 = arith.constant 0 : i32
      %scan3A_29 = arith.constant 8 : i32
      %scan3A_30 = arith.addi %scan3A_28, %scan3A_29 : i32
      %scan3A_31 = arith.constant 1 : i32
      scf.for %scan3A_33 = %scan3A_28 to %scan3A_30 step %scan3A_31  : i32 {
        %mul3A_34 = arith.constant 1 : i32
        %mul3A_35 = arith.muli %scan3A_33, %mul3A_34 : i32
        %add3A_36 = arith.constant 0 : i32
        %add3A_37 = arith.addi %add3A_36, %mul3A_35 : i32
        %mul3A_38 = arith.constant 16 : i32
        %mul3A_39 = arith.muli %add3A_37, %mul3A_38 : i32
        %get3A = arith.index_cast %add3A_27 : i32 to index
        %get3A_40 = arith.index_cast %mul3A_39 : i32 to index
        %get3A_41 = tpu.vector_load %arg5[%get3A, %get3A_40] {strides = array<i32>} : memref<80x128xi32, #tpu.memory_space<vmem>>, vector<1x16xi32>,
        %get3A_42 = vector.shape_cast %get3A_41 : vector<1x16xi32> to vector<16xi32>
        %and3A = arith.constant 16383 : i32
        %and3A_43 = vector.broadcast %and3A : i32 to vector<16xi32>
        %and3A_44 = arith.andi %get3A_42, %and3A_43 : vector<16xi32>
        %mul3A_45 = arith.constant 16 : i32
        %mul3A_46 = arith.muli %add3A_37, %mul3A_45 : i32
        %swap3A = arith.index_cast %add3A_27 : i32 to index
        %swap3A_47 = arith.index_cast %mul3A_46 : i32 to index
        %swap3A_48 = tpu.vector_load %arg6[%swap3A, %swap3A_47] {strides = array<i32>} : memref<80x128xi32, #tpu.memory_space<vmem>>, vector<1x16xi32>,
        %swap3A_49 = vector.shape_cast %swap3A_48 : vector<1x16xi32> to vector<16xi32>
        %swap3A_50 = vector.shape_cast %and3A_44 : vector<16xi32> to vector<1x16xi32>
        tpu.vector_store %arg6[%swap3A, %swap3A_47], %swap3A_50 {strides = array<i32>} : memref<80x128xi32, #tpu.memory_space<vmem>>, vector<1x16xi32>,
        %shift_right_arithmetic3A = arith.constant 14 : i32
        %shift_right_arithmetic3A_51 = vector.broadcast %shift_right_arithmetic3A : i32 to vector<16xi32>
        %shift_right_arithmetic3A_52 = arith.shrsi %get3A_42, %shift_right_arithmetic3A_51 : vector<16xi32>
        %mul3A_53 = arith.constant 16 : i32
        %mul3A_54 = arith.muli %add3A_37, %mul3A_53 : i32
        %swap3A_55 = arith.index_cast %add3A_27 : i32 to index
        %swap3A_56 = arith.index_cast %mul3A_54 : i32 to index
        %swap3A_57 = tpu.vector_load %arg7[%swap3A_55, %swap3A_56] {strides = array<i32>} : memref<80x128xi32, #tpu.memory_space<vmem>>, vector<1x16xi32>,
        %swap3A_58 = vector.shape_cast %swap3A_57 : vector<1x16xi32> to vector<16xi32>
        %swap3A_59 = vector.shape_cast %shift_right_arithmetic3A_52 : vector<16xi32> to vector<1x16xi32>
        tpu.vector_store %arg7[%swap3A_55, %swap3A_56], %swap3A_59 {strides = array<i32>} : memref<80x128xi32, #tpu.memory_space<vmem>>, vector<1x16xi32>,
      }
      %scan3A_32 = arith.constant 8 : i32
    }
    %scan3A_16 = arith.constant 80 : i32
    %scan3A_17 = arith.constant 0 : i32
    %scan3A_18 = arith.constant 80 : i32
    %scan3A_19 = arith.addi %scan3A_17, %scan3A_18 : i32
    %scan3A_20 = arith.constant 1 : i32
    scf.for %scan3A_23 = %scan3A_17 to %scan3A_19 step %scan3A_20  : i32 {
      %mul3A_24 = arith.constant 1 : i32
      %mul3A_25 = arith.muli %scan3A_23, %mul3A_24 : i32
      %add3A_26 = arith.constant 0 : i32
      %add3A_27 = arith.addi %add3A_26, %mul3A_25 : i32
      %dma_start3A = arith.constant 0 : i32
      %dma_start3A_28 = tpu.memref_slice %arg6[%add3A_27, %dma_start3A] : memref<80x128xi32, #tpu.memory_space<vmem>> -> memref<1x128xi32, #tpu.memory_space<vmem>>
      %dma_start3A_29 = tpu.memref_squeeze %dma_start3A_28 : memref<1x128xi32, #tpu.memory_space<vmem>> -> memref<128xi32, #tpu.memory_space<vmem>>
      %dma_start3A_30 = arith.constant 0 : i32
      %dma_start3A_31 = arith.constant 0 : i32
      %dma_start3A_32 = tpu.memref_slice %arg2[%dma_start3A_30, %dma_start3A_31] : memref<10000x128xf32, #tpu.memory_space<hbm>> -> memref<10000x128xf32, #tpu.memory_space<hbm>>
      tpu.enqueue_indirect_dma source(%dma_start3A_32 : memref<10000x128xf32, #tpu.memory_space<hbm>>) target(%arg8 : memref<128x128xf32, #tpu.memory_space<vmem>>) offsets(%dma_start3A_29 : memref<128xi32, #tpu.memory_space<vmem>>) semaphore(%arg11 : memref<!tpu.dma_semaphore, #tpu.memory_space<semaphore_mem>>)
      %dma_wait3A = arith.constant 0 : i32
      %dma_wait3A_33 = tpu.memref_slice %arg6[%add3A_27, %dma_wait3A] : memref<80x128xi32, #tpu.memory_space<vmem>> -> memref<1x128xi32, #tpu.memory_space<vmem>>
      %dma_wait3A_34 = tpu.memref_squeeze %dma_wait3A_33 : memref<1x128xi32, #tpu.memory_space<vmem>> -> memref<128xi32, #tpu.memory_space<vmem>>
      %dma_wait3A_35 = arith.constant 0 : i32
      %dma_wait3A_36 = arith.constant 0 : i32
      %dma_wait3A_37 = tpu.memref_slice %arg2[%dma_wait3A_35, %dma_wait3A_36] : memref<10000x128xf32, #tpu.memory_space<hbm>> -> memref<10000x128xf32, #tpu.memory_space<hbm>>
      tpu.wait_indirect_dma semaphore(%arg11 : memref<!tpu.dma_semaphore, #tpu.memory_space<semaphore_mem>>) src(%dma_wait3A_37 : memref<10000x128xf32, #tpu.memory_space<hbm>>) dst(%arg8 : memref<128x128xf32, #tpu.memory_space<vmem>>)
      "tpu.region"() ({
        %run_scoped3A = tpu.sem_alloc : memref<!tpu.dma_semaphore, #tpu.memory_space<semaphore_mem>>
        %dma_start3A_38 = arith.constant 0 : i32
        %dma_start3A_39 = tpu.memref_slice %arg7[%add3A_27, %dma_start3A_38] : memref<80x128xi32, #tpu.memory_space<vmem>> -> memref<1x128xi32, #tpu.memory_space<vmem>>
        %dma_start3A_40 = tpu.memref_squeeze %dma_start3A_39 : memref<1x128xi32, #tpu.memory_space<vmem>> -> memref<128xi32, #tpu.memory_space<vmem>>
        %dma_start3A_41 = arith.constant 0 : i32
        %dma_start3A_42 = arith.constant 0 : i32
        %dma_start3A_43 = tpu.memref_slice %arg10[%dma_start3A_41, %dma_start3A_42] : memref<10240x128xf32, #tpu.memory_space<vmem_shared>> -> memref<10240x128xf32, #tpu.memory_space<vmem_shared>>
        tpu.enqueue_indirect_dma source(%arg8 : memref<128x128xf32, #tpu.memory_space<vmem>>) target(%dma_start3A_43 : memref<10240x128xf32, #tpu.memory_space<vmem_shared>>) offsets(%dma_start3A_40 : memref<128xi32, #tpu.memory_space<vmem>>) semaphore(%run_scoped3A : memref<!tpu.dma_semaphore, #tpu.memory_space<semaphore_mem>>) {add = true}
        %dma_wait3A_44 = arith.constant 0 : i32
        %dma_wait3A_45 = tpu.memref_slice %arg7[%add3A_27, %dma_wait3A_44] : memref<80x128xi32, #tpu.memory_space<vmem>> -> memref<1x128xi32, #tpu.memory_space<vmem>>
        %dma_wait3A_46 = tpu.memref_squeeze %dma_wait3A_45 : memref<1x128xi32, #tpu.memory_space<vmem>> -> memref<128xi32, #tpu.memory_space<vmem>>
        %dma_wait3A_47 = arith.constant 0 : i32
        %dma_wait3A_48 = arith.constant 0 : i32
        %dma_wait3A_49 = tpu.memref_slice %arg10[%dma_wait3A_47, %dma_wait3A_48] : memref<10240x128xf32, #tpu.memory_space<vmem_shared>> -> memref<10240x128xf32, #tpu.memory_space<vmem_shared>>
        tpu.wait_indirect_dma semaphore(%run_scoped3A : memref<!tpu.dma_semaphore, #tpu.memory_space<semaphore_mem>>) src(%arg8 : memref<128x128xf32, #tpu.memory_space<vmem>>) dst(%dma_wait3A_49 : memref<10240x128xf32, #tpu.memory_space<vmem_shared>>)
        tpu.yield
      }) : () -> ()
    }
    %scan3A_21 = arith.constant 80 : i32
    %barrier3A_22 = arith.constant 0 : index
    tpu.barrier barrier_id(%barrier3A_22)
    "tpu.region"() ({
      %run_scoped3A = tpu.sem_alloc : memref<!tpu.dma_semaphore, #tpu.memory_space<semaphore_mem>>
      %dma_start3A = arith.constant 0 : i32
      %dma_start3A_23 = tpu.memref_slice %arg4[%arg0, %mul3A_6, %dma_start3A] : memref<2x10240x128xf32, #tpu.memory_space<hbm>> -> memref<1x640x128xf32, #tpu.memory_space<hbm>>
      %dma_start3A_24 = tpu.memref_squeeze %dma_start3A_23 : memref<1x640x128xf32, #tpu.memory_space<hbm>> -> memref<640x128xf32, #tpu.memory_space<hbm>>
      %dma_start3A_25 = arith.constant 0 : i32
      %dma_start3A_26 = tpu.memref_slice %arg10[%mul3A_6, %dma_start3A_25] : memref<10240x128xf32, #tpu.memory_space<vmem_shared>> -> memref<640x128xf32, #tpu.memory_space<vmem_shared>>
      tpu.enqueue_dma source(%dma_start3A_26 : memref<640x128xf32, #tpu.memory_space<vmem_shared>>) target(%dma_start3A_24 : memref<640x128xf32, #tpu.memory_space<hbm>>) target_semaphore(%run_scoped3A : memref<!tpu.dma_semaphore, #tpu.memory_space<semaphore_mem>>)
      %dma_wait3A = arith.constant 0 : i32
      %dma_wait3A_27 = tpu.memref_slice %arg4[%arg0, %mul3A_6, %dma_wait3A] : memref<2x10240x128xf32, #tpu.memory_space<hbm>> -> memref<1x640x128xf32, #tpu.memory_space<hbm>>
      %dma_wait3A_28 = tpu.memref_squeeze %dma_wait3A_27 : memref<1x640x128xf32, #tpu.memory_space<hbm>> -> memref<640x128xf32, #tpu.memory_space<hbm>>
      %dma_wait3A_29 = arith.constant 0 : i32
      %dma_wait3A_30 = tpu.memref_slice %arg10[%mul3A_6, %dma_wait3A_29] : memref<10240x128xf32, #tpu.memory_space<vmem_shared>> -> memref<640x128xf32, #tpu.memory_space<vmem_shared>>
      tpu.wait_dma2 semaphore(%run_scoped3A : memref<!tpu.dma_semaphore, #tpu.memory_space<semaphore_mem>>) src(%dma_wait3A_30 : memref<640x128xf32, #tpu.memory_space<vmem_shared>>) dst(%dma_wait3A_28 : memref<640x128xf32, #tpu.memory_space<hbm>>)
      tpu.yield
    }) : () -> ()
    return
  }
}

module attributes {stable_mosaic.version = 14 : i64} {
  func.func @body(%arg0: i32, %arg1: memref<2x1000x128xf32, #tpu.memory_space<vmem>>, %arg2: memref<1000x32xf32, #tpu.memory_space<vmem>>, %arg3: memref<1000x128xf32, #tpu.memory_space<vmem>>, %arg4: memref<128x128xf32, #tpu.memory_space<vmem>>, %arg5: memref<128x128xf32, #tpu.memory_space<vmem>>, %arg6: memref<1x128xf32, #tpu.memory_space<vmem>>, %arg7: memref<1x128xf32, #tpu.memory_space<vmem>>, %arg8: memref<1x128xf32, #tpu.memory_space<vmem>>, %arg9: memref<1000x128xf32, #tpu.memory_space<vmem>>) attributes {dimension_semantics = [#tpu.dimension_semantics<arbitrary>], iteration_bounds = array<i64: 10>, scalar_prefetch = 0 : i64, scratch_operands = 0 : i64, tpu.core_type = #tpu.core_type<tc>, window_params = [{transform_indices = @transform_0, window_bounds = array<i64: 2, 1000, 128>}, {transform_indices = @transform_1, window_bounds = array<i64: 1000, 32>}, {transform_indices = @transform_2, window_bounds = array<i64: 1000, 128>}, {pipeline_mode = #tpu.pipeline_mode<synchronous>, transform_indices = @transform_3, window_bounds = array<i64: 128, 128>}, {pipeline_mode = #tpu.pipeline_mode<synchronous>, transform_indices = @transform_4, window_bounds = array<i64: 128, 128>}, {pipeline_mode = #tpu.pipeline_mode<synchronous>, transform_indices = @transform_5, window_bounds = array<i64: 1, 128>}, {pipeline_mode = #tpu.pipeline_mode<synchronous>, transform_indices = @transform_6, window_bounds = array<i64: 1, 128>}, {pipeline_mode = #tpu.pipeline_mode<synchronous>, transform_indices = @transform_7, window_bounds = array<i64: 1, 128>}, {transform_indices = @transform_8, window_bounds = array<i64: 1000, 128>}]} {
    %get3A = arith.constant 0 : index
    %get3A_0 = arith.constant 0 : index
    %get3A_1 = arith.constant 0 : index
    %get3A_2 = vector.load %arg1[%get3A, %get3A_0, %get3A_1] : memref<2x1000x128xf32, #tpu.memory_space<vmem>>, vector<1x1000x128xf32>
    %get3A_3 = vector.shape_cast %get3A_2 : vector<1x1000x128xf32> to vector<1000x128xf32>
    %get3A_4 = arith.constant 1 : index
    %get3A_5 = arith.constant 0 : index
    %get3A_6 = arith.constant 0 : index
    %get3A_7 = vector.load %arg1[%get3A_4, %get3A_5, %get3A_6] : memref<2x1000x128xf32, #tpu.memory_space<vmem>>, vector<1x1000x128xf32>
    %get3A_8 = vector.shape_cast %get3A_7 : vector<1x1000x128xf32> to vector<1000x128xf32>
    %add3A = arith.addf %get3A_3, %get3A_8 : vector<1000x128xf32>
    %get3A_9 = arith.constant 0 : index
    %get3A_10 = arith.constant 0 : index
    %get3A_11 = vector.load %arg2[%get3A_9, %get3A_10] : memref<1000x32xf32, #tpu.memory_space<vmem>>, vector<1000x32xf32>
    %reduce_sum3A = arith.constant dense<0.000000e+00> : vector<1000xf32>
    %reduce_sum3A_12 = vector.multi_reduction <add>, %get3A_11, %reduce_sum3A [1] : vector<1000x32xf32> to vector<1000xf32>
    %broadcast_in_dim3A = vector.shape_cast %reduce_sum3A_12 : vector<1000xf32> to vector<1000x1xf32>
    %max3A = arith.constant 1.000000e+00 : f32
    %max3A_13 = vector.broadcast %max3A : f32 to vector<1000x1xf32>
    %max3A_14 = arith.maximumf %broadcast_in_dim3A, %max3A_13 : vector<1000x1xf32>
    %div3A = vector.broadcast %max3A_14 : vector<1000x1xf32> to vector<1000x128xf32>
    %div3A_15 = arith.divf %add3A, %div3A : vector<1000x128xf32>
    %get3A_16 = arith.constant 0 : index
    %get3A_17 = arith.constant 0 : index
    %get3A_18 = vector.load %arg3[%get3A_16, %get3A_17] : memref<1000x128xf32, #tpu.memory_space<vmem>>, vector<1000x128xf32>
    %get3A_19 = arith.constant 0 : index
    %get3A_20 = arith.constant 0 : index
    %get3A_21 = vector.load %arg4[%get3A_19, %get3A_20] : memref<128x128xf32, #tpu.memory_space<vmem>>, vector<128x128xf32>
    %dot_general3A = arith.constant dense<0.000000e+00> : vector<1000x128xf32>
    %dot_general3A_22 = tpu.matmul %div3A_15, %get3A_21, %dot_general3A {dimension_numbers = #tpu.dot_dimension_numbers<[1], [1], [0], [0], [0, 0, 1, 0], [], []>, precision = #tpu.contract_precision<fp32>, transpose_lhs_hint = false} : vector<1000x128xf32>, vector<128x128xf32>, vector<1000x128xf32> -> vector<1000x128xf32>
    %get3A_23 = arith.constant 0 : index
    %get3A_24 = arith.constant 0 : index
    %get3A_25 = vector.load %arg5[%get3A_23, %get3A_24] : memref<128x128xf32, #tpu.memory_space<vmem>>, vector<128x128xf32>
    %dot_general3A_26 = arith.constant dense<0.000000e+00> : vector<1000x128xf32>
    %dot_general3A_27 = tpu.matmul %get3A_18, %get3A_25, %dot_general3A_26 {dimension_numbers = #tpu.dot_dimension_numbers<[1], [1], [0], [0], [0, 0, 1, 0], [], []>, precision = #tpu.contract_precision<fp32>, transpose_lhs_hint = false} : vector<1000x128xf32>, vector<128x128xf32>, vector<1000x128xf32> -> vector<1000x128xf32>
    %add3A_28 = arith.addf %dot_general3A_22, %dot_general3A_27 : vector<1000x128xf32>
    %get3A_29 = arith.constant 0 : index
    %get3A_30 = arith.constant 0 : index
    %get3A_31 = vector.load %arg6[%get3A_29, %get3A_30] : memref<1x128xf32, #tpu.memory_space<vmem>>, vector<1x128xf32>
    %add3A_32 = vector.broadcast %get3A_31 : vector<1x128xf32> to vector<1000x128xf32>
    %add3A_33 = arith.addf %add3A_28, %add3A_32 : vector<1000x128xf32>
    %reduce_sum3A_34 = arith.constant dense<0.000000e+00> : vector<1000xf32>
    %reduce_sum3A_35 = vector.multi_reduction <add>, %add3A_33, %reduce_sum3A_34 [1] : vector<1000x128xf32> to vector<1000xf32>
    %broadcast_in_dim3A_36 = vector.shape_cast %reduce_sum3A_35 : vector<1000xf32> to vector<1000x1xf32>
    %div3A_37 = arith.constant 1.280000e+02 : f32
    %div3A_38 = vector.broadcast %div3A_37 : f32 to vector<1000x1xf32>
    %div3A_39 = arith.divf %broadcast_in_dim3A_36, %div3A_38 : vector<1000x1xf32>
    %sub3A = vector.broadcast %div3A_39 : vector<1000x1xf32> to vector<1000x128xf32>
    %sub3A_40 = arith.subf %add3A_33, %sub3A : vector<1000x128xf32>
    %mul3A = arith.mulf %sub3A_40, %sub3A_40 : vector<1000x128xf32>
    %reduce_sum3A_41 = arith.constant dense<0.000000e+00> : vector<1000xf32>
    %reduce_sum3A_42 = vector.multi_reduction <add>, %mul3A, %reduce_sum3A_41 [1] : vector<1000x128xf32> to vector<1000xf32>
    %broadcast_in_dim3A_43 = vector.shape_cast %reduce_sum3A_42 : vector<1000xf32> to vector<1000x1xf32>
    %div3A_44 = arith.constant 1.280000e+02 : f32
    %div3A_45 = vector.broadcast %div3A_44 : f32 to vector<1000x1xf32>
    %div3A_46 = arith.divf %broadcast_in_dim3A_43, %div3A_45 : vector<1000x1xf32>
    %add3A_47 = arith.constant 9.99999974E-6 : f32
    %add3A_48 = vector.broadcast %add3A_47 : f32 to vector<1000x1xf32>
    %add3A_49 = arith.addf %div3A_46, %add3A_48 : vector<1000x1xf32>
    %rsqrt3A = math.rsqrt %add3A_49 : vector<1000x1xf32>
    %mul3A_50 = vector.broadcast %rsqrt3A : vector<1000x1xf32> to vector<1000x128xf32>
    %mul3A_51 = arith.mulf %sub3A_40, %mul3A_50 : vector<1000x128xf32>
    %get3A_52 = arith.constant 0 : index
    %get3A_53 = arith.constant 0 : index
    %get3A_54 = vector.load %arg7[%get3A_52, %get3A_53] : memref<1x128xf32, #tpu.memory_space<vmem>>, vector<1x128xf32>
    %mul3A_55 = vector.broadcast %get3A_54 : vector<1x128xf32> to vector<1000x128xf32>
    %mul3A_56 = arith.mulf %mul3A_51, %mul3A_55 : vector<1000x128xf32>
    %get3A_57 = arith.constant 0 : index
    %get3A_58 = arith.constant 0 : index
    %get3A_59 = vector.load %arg8[%get3A_57, %get3A_58] : memref<1x128xf32, #tpu.memory_space<vmem>>, vector<1x128xf32>
    %add3A_60 = vector.broadcast %get3A_59 : vector<1x128xf32> to vector<1000x128xf32>
    %add3A_61 = arith.addf %mul3A_56, %add3A_60 : vector<1000x128xf32>
    %max3A_62 = arith.constant 0.000000e+00 : f32
    %max3A_63 = vector.broadcast %max3A_62 : f32 to vector<1000x128xf32>
    %max3A_64 = arith.maximumf %add3A_61, %max3A_63 : vector<1000x128xf32>
    %add3A_65 = arith.addf %max3A_64, %get3A_18 : vector<1000x128xf32>
    %swap3A = arith.constant 0 : index
    %swap3A_66 = arith.constant 0 : index
    %swap3A_67 = vector.load %arg9[%swap3A, %swap3A_66] : memref<1000x128xf32, #tpu.memory_space<vmem>>, vector<1000x128xf32>
    tpu.vector_store %arg9[%swap3A, %swap3A_66], %add3A_65 {strides = array<i32>} : memref<1000x128xf32, #tpu.memory_space<vmem>>, vector<1000x128xf32>,
    return
  }
  func.func @transform_0(%arg0: i32) -> (i32, i32, i32) {
    %c0_i32 = arith.constant 0 : i32
    %c0_i32_0 = arith.constant 0 : i32
    %c0_i32_1 = arith.constant 0 : i32
    return %c0_i32, %arg0, %c0_i32_0 : i32, i32, i32
  }
  func.func @transform_1(%arg0: i32) -> (i32, i32) {
    %c0_i32 = arith.constant 0 : i32
    %c0_i32_0 = arith.constant 0 : i32
    return %arg0, %c0_i32 : i32, i32
  }
  func.func @transform_2(%arg0: i32) -> (i32, i32) {
    %c0_i32 = arith.constant 0 : i32
    %c0_i32_0 = arith.constant 0 : i32
    return %arg0, %c0_i32 : i32, i32
  }
  func.func @transform_3(%arg0: i32) -> (i32, i32) {
    %c0_i32 = arith.constant 0 : i32
    %c0_i32_0 = arith.constant 0 : i32
    %c0_i32_1 = arith.constant 0 : i32
    return %c0_i32, %c0_i32_0 : i32, i32
  }
  func.func @transform_4(%arg0: i32) -> (i32, i32) {
    %c0_i32 = arith.constant 0 : i32
    %c0_i32_0 = arith.constant 0 : i32
    %c0_i32_1 = arith.constant 0 : i32
    return %c0_i32, %c0_i32_0 : i32, i32
  }
  func.func @transform_5(%arg0: i32) -> (i32, i32) {
    %c0_i32 = arith.constant 0 : i32
    %c0_i32_0 = arith.constant 0 : i32
    %c0_i32_1 = arith.constant 0 : i32
    return %c0_i32, %c0_i32_0 : i32, i32
  }
  func.func @transform_6(%arg0: i32) -> (i32, i32) {
    %c0_i32 = arith.constant 0 : i32
    %c0_i32_0 = arith.constant 0 : i32
    %c0_i32_1 = arith.constant 0 : i32
    return %c0_i32, %c0_i32_0 : i32, i32
  }
  func.func @transform_7(%arg0: i32) -> (i32, i32) {
    %c0_i32 = arith.constant 0 : i32
    %c0_i32_0 = arith.constant 0 : i32
    %c0_i32_1 = arith.constant 0 : i32
    return %c0_i32, %c0_i32_0 : i32, i32
  }
  func.func @transform_8(%arg0: i32) -> (i32, i32) {
    %c0_i32 = arith.constant 0 : i32
    %c0_i32_0 = arith.constant 0 : i32
    return %arg0, %c0_i32 : i32, i32
  }
}

module attributes {stable_mosaic.version = 14 : i64} {
  func.func @body(%arg0: i32, %arg1: memref<2x1000x128xf32, #tpu.memory_space<vmem>>, %arg2: memref<1000x32xf32, #tpu.memory_space<vmem>>, %arg3: memref<1000x128xf32, #tpu.memory_space<vmem>>, %arg4: memref<128x128xf32, #tpu.memory_space<vmem>>, %arg5: memref<128x128xf32, #tpu.memory_space<vmem>>, %arg6: memref<1x128xf32, #tpu.memory_space<vmem>>, %arg7: memref<1x128xf32, #tpu.memory_space<vmem>>, %arg8: memref<1x128xf32, #tpu.memory_space<vmem>>, %arg9: memref<1000x128xf32, #tpu.memory_space<vmem>>) attributes {dimension_semantics = [#tpu.dimension_semantics<arbitrary>], iteration_bounds = array<i64: 10>, scalar_prefetch = 0 : i64, scratch_operands = 0 : i64, tpu.core_type = #tpu.core_type<tc>, window_params = [{transform_indices = @transform_0, window_bounds = array<i64: 2, 1000, 128>}, {transform_indices = @transform_1, window_bounds = array<i64: 1000, 32>}, {transform_indices = @transform_2, window_bounds = array<i64: 1000, 128>}, {pipeline_mode = #tpu.pipeline_mode<synchronous>, transform_indices = @transform_3, window_bounds = array<i64: 128, 128>}, {pipeline_mode = #tpu.pipeline_mode<synchronous>, transform_indices = @transform_4, window_bounds = array<i64: 128, 128>}, {pipeline_mode = #tpu.pipeline_mode<synchronous>, transform_indices = @transform_5, window_bounds = array<i64: 1, 128>}, {pipeline_mode = #tpu.pipeline_mode<synchronous>, transform_indices = @transform_6, window_bounds = array<i64: 1, 128>}, {pipeline_mode = #tpu.pipeline_mode<synchronous>, transform_indices = @transform_7, window_bounds = array<i64: 1, 128>}, {transform_indices = @transform_8, window_bounds = array<i64: 1000, 128>}]} {
    %get3A = arith.constant 0 : index
    %get3A_0 = arith.constant 0 : index
    %get3A_1 = arith.constant 0 : index
    %get3A_2 = vector.load %arg1[%get3A, %get3A_0, %get3A_1] : memref<2x1000x128xf32, #tpu.memory_space<vmem>>, vector<1x1000x128xf32>
    %get3A_3 = vector.shape_cast %get3A_2 : vector<1x1000x128xf32> to vector<1000x128xf32>
    %get3A_4 = arith.constant 1 : index
    %get3A_5 = arith.constant 0 : index
    %get3A_6 = arith.constant 0 : index
    %get3A_7 = vector.load %arg1[%get3A_4, %get3A_5, %get3A_6] : memref<2x1000x128xf32, #tpu.memory_space<vmem>>, vector<1x1000x128xf32>
    %get3A_8 = vector.shape_cast %get3A_7 : vector<1x1000x128xf32> to vector<1000x128xf32>
    %add3A = arith.addf %get3A_3, %get3A_8 : vector<1000x128xf32>
    %get3A_9 = arith.constant 0 : index
    %get3A_10 = arith.constant 0 : index
    %get3A_11 = vector.load %arg2[%get3A_9, %get3A_10] : memref<1000x32xf32, #tpu.memory_space<vmem>>, vector<1000x32xf32>
    %reduce_sum3A = arith.constant dense<0.000000e+00> : vector<1000xf32>
    %reduce_sum3A_12 = vector.multi_reduction <add>, %get3A_11, %reduce_sum3A [1] : vector<1000x32xf32> to vector<1000xf32>
    %broadcast_in_dim3A = vector.shape_cast %reduce_sum3A_12 : vector<1000xf32> to vector<1000x1xf32>
    %max3A = arith.constant 1.000000e+00 : f32
    %max3A_13 = vector.broadcast %max3A : f32 to vector<1000x1xf32>
    %max3A_14 = arith.maximumf %broadcast_in_dim3A, %max3A_13 : vector<1000x1xf32>
    %div3A = vector.broadcast %max3A_14 : vector<1000x1xf32> to vector<1000x128xf32>
    %div3A_15 = arith.divf %add3A, %div3A : vector<1000x128xf32>
    %get3A_16 = arith.constant 0 : index
    %get3A_17 = arith.constant 0 : index
    %get3A_18 = vector.load %arg3[%get3A_16, %get3A_17] : memref<1000x128xf32, #tpu.memory_space<vmem>>, vector<1000x128xf32>
    %get3A_19 = arith.constant 0 : index
    %get3A_20 = arith.constant 0 : index
    %get3A_21 = vector.load %arg4[%get3A_19, %get3A_20] : memref<128x128xf32, #tpu.memory_space<vmem>>, vector<128x128xf32>
    %dot_general3A = arith.constant dense<0.000000e+00> : vector<1000x128xf32>
    %dot_general3A_22 = tpu.matmul %div3A_15, %get3A_21, %dot_general3A {dimension_numbers = #tpu.dot_dimension_numbers<[1], [1], [0], [0], [0, 0, 1, 0], [], []>, precision = #tpu.contract_precision<fp32>, transpose_lhs_hint = false} : vector<1000x128xf32>, vector<128x128xf32>, vector<1000x128xf32> -> vector<1000x128xf32>
    %get3A_23 = arith.constant 0 : index
    %get3A_24 = arith.constant 0 : index
    %get3A_25 = vector.load %arg5[%get3A_23, %get3A_24] : memref<128x128xf32, #tpu.memory_space<vmem>>, vector<128x128xf32>
    %dot_general3A_26 = arith.constant dense<0.000000e+00> : vector<1000x128xf32>
    %dot_general3A_27 = tpu.matmul %get3A_18, %get3A_25, %dot_general3A_26 {dimension_numbers = #tpu.dot_dimension_numbers<[1], [1], [0], [0], [0, 0, 1, 0], [], []>, precision = #tpu.contract_precision<fp32>, transpose_lhs_hint = false} : vector<1000x128xf32>, vector<128x128xf32>, vector<1000x128xf32> -> vector<1000x128xf32>
    %add3A_28 = arith.addf %dot_general3A_22, %dot_general3A_27 : vector<1000x128xf32>
    %get3A_29 = arith.constant 0 : index
    %get3A_30 = arith.constant 0 : index
    %get3A_31 = vector.load %arg6[%get3A_29, %get3A_30] : memref<1x128xf32, #tpu.memory_space<vmem>>, vector<1x128xf32>
    %add3A_32 = vector.broadcast %get3A_31 : vector<1x128xf32> to vector<1000x128xf32>
    %add3A_33 = arith.addf %add3A_28, %add3A_32 : vector<1000x128xf32>
    %reduce_sum3A_34 = arith.constant dense<0.000000e+00> : vector<1000xf32>
    %reduce_sum3A_35 = vector.multi_reduction <add>, %add3A_33, %reduce_sum3A_34 [1] : vector<1000x128xf32> to vector<1000xf32>
    %broadcast_in_dim3A_36 = vector.shape_cast %reduce_sum3A_35 : vector<1000xf32> to vector<1000x1xf32>
    %div3A_37 = arith.constant 1.280000e+02 : f32
    %div3A_38 = vector.broadcast %div3A_37 : f32 to vector<1000x1xf32>
    %div3A_39 = arith.divf %broadcast_in_dim3A_36, %div3A_38 : vector<1000x1xf32>
    %sub3A = vector.broadcast %div3A_39 : vector<1000x1xf32> to vector<1000x128xf32>
    %sub3A_40 = arith.subf %add3A_33, %sub3A : vector<1000x128xf32>
    %mul3A = arith.mulf %sub3A_40, %sub3A_40 : vector<1000x128xf32>
    %reduce_sum3A_41 = arith.constant dense<0.000000e+00> : vector<1000xf32>
    %reduce_sum3A_42 = vector.multi_reduction <add>, %mul3A, %reduce_sum3A_41 [1] : vector<1000x128xf32> to vector<1000xf32>
    %broadcast_in_dim3A_43 = vector.shape_cast %reduce_sum3A_42 : vector<1000xf32> to vector<1000x1xf32>
    %div3A_44 = arith.constant 1.280000e+02 : f32
    %div3A_45 = vector.broadcast %div3A_44 : f32 to vector<1000x1xf32>
    %div3A_46 = arith.divf %broadcast_in_dim3A_43, %div3A_45 : vector<1000x1xf32>
    %add3A_47 = arith.constant 9.99999974E-6 : f32
    %add3A_48 = vector.broadcast %add3A_47 : f32 to vector<1000x1xf32>
    %add3A_49 = arith.addf %div3A_46, %add3A_48 : vector<1000x1xf32>
    %rsqrt3A = math.rsqrt %add3A_49 : vector<1000x1xf32>
    %mul3A_50 = vector.broadcast %rsqrt3A : vector<1000x1xf32> to vector<1000x128xf32>
    %mul3A_51 = arith.mulf %sub3A_40, %mul3A_50 : vector<1000x128xf32>
    %get3A_52 = arith.constant 0 : index
    %get3A_53 = arith.constant 0 : index
    %get3A_54 = vector.load %arg7[%get3A_52, %get3A_53] : memref<1x128xf32, #tpu.memory_space<vmem>>, vector<1x128xf32>
    %mul3A_55 = vector.broadcast %get3A_54 : vector<1x128xf32> to vector<1000x128xf32>
    %mul3A_56 = arith.mulf %mul3A_51, %mul3A_55 : vector<1000x128xf32>
    %get3A_57 = arith.constant 0 : index
    %get3A_58 = arith.constant 0 : index
    %get3A_59 = vector.load %arg8[%get3A_57, %get3A_58] : memref<1x128xf32, #tpu.memory_space<vmem>>, vector<1x128xf32>
    %add3A_60 = vector.broadcast %get3A_59 : vector<1x128xf32> to vector<1000x128xf32>
    %add3A_61 = arith.addf %mul3A_56, %add3A_60 : vector<1000x128xf32>
    %max3A_62 = arith.constant 0.000000e+00 : f32
    %max3A_63 = vector.broadcast %max3A_62 : f32 to vector<1000x128xf32>
    %max3A_64 = arith.maximumf %add3A_61, %max3A_63 : vector<1000x128xf32>
    %add3A_65 = arith.addf %max3A_64, %get3A_18 : vector<1000x128xf32>
    %swap3A = arith.constant 0 : index
    %swap3A_66 = arith.constant 0 : index
    %swap3A_67 = vector.load %arg9[%swap3A, %swap3A_66] : memref<1000x128xf32, #tpu.memory_space<vmem>>, vector<1000x128xf32>
    tpu.vector_store %arg9[%swap3A, %swap3A_66], %add3A_65 {strides = array<i32>} : memref<1000x128xf32, #tpu.memory_space<vmem>>, vector<1000x128xf32>,
    return
  }
  func.func @transform_0(%arg0: i32) -> (i32, i32, i32) {
    %c0_i32 = arith.constant 0 : i32
    %c0_i32_0 = arith.constant 0 : i32
    %c0_i32_1 = arith.constant 0 : i32
    return %c0_i32, %arg0, %c0_i32_0 : i32, i32, i32
  }
  func.func @transform_1(%arg0: i32) -> (i32, i32) {
    %c0_i32 = arith.constant 0 : i32
    %c0_i32_0 = arith.constant 0 : i32
    return %arg0, %c0_i32 : i32, i32
  }
  func.func @transform_2(%arg0: i32) -> (i32, i32) {
    %c0_i32 = arith.constant 0 : i32
    %c0_i32_0 = arith.constant 0 : i32
    return %arg0, %c0_i32 : i32, i32
  }
  func.func @transform_3(%arg0: i32) -> (i32, i32) {
    %c0_i32 = arith.constant 0 : i32
    %c0_i32_0 = arith.constant 0 : i32
    %c0_i32_1 = arith.constant 0 : i32
    return %c0_i32, %c0_i32_0 : i32, i32
  }
  func.func @transform_4(%arg0: i32) -> (i32, i32) {
    %c0_i32 = arith.constant 0 : i32
    %c0_i32_0 = arith.constant 0 : i32
    %c0_i32_1 = arith.constant 0 : i32
    return %c0_i32, %c0_i32_0 : i32, i32
  }
  func.func @transform_5(%arg0: i32) -> (i32, i32) {
    %c0_i32 = arith.constant 0 : i32
    %c0_i32_0 = arith.constant 0 : i32
    %c0_i32_1 = arith.constant 0 : i32
    return %c0_i32, %c0_i32_0 : i32, i32
  }
  func.func @transform_6(%arg0: i32) -> (i32, i32) {
    %c0_i32 = arith.constant 0 : i32
    %c0_i32_0 = arith.constant 0 : i32
    %c0_i32_1 = arith.constant 0 : i32
    return %c0_i32, %c0_i32_0 : i32, i32
  }
  func.func @transform_7(%arg0: i32) -> (i32, i32) {
    %c0_i32 = arith.constant 0 : i32
    %c0_i32_0 = arith.constant 0 : i32
    %c0_i32_1 = arith.constant 0 : i32
    return %c0_i32, %c0_i32_0 : i32, i32
  }
  func.func @transform_8(%arg0: i32) -> (i32, i32) {
    %c0_i32 = arith.constant 0 : i32
    %c0_i32_0 = arith.constant 0 : i32
    return %arg0, %c0_i32 : i32, i32
  }
}

</mosaic_0001>

<sc_bundles>
// kernel: kernel.12.cloned.1.call-start
scs
__scs_entry_jumppad:
0x0: {  	(pc) =	sbr.rel $0x88, $3  }
0x1: {  	(tag) =	ssettag $0x0;
	lr =	simm.s32 $0x1  }
0x2: {  	[smem:$0x3F9A] =	sst lr;
	_ =	strace $0xD0000000  }
0x3: {  	_ = 	snop  }
0x4: {  	_ = 	snop  }
0x5: {  	_ = 	snop  }
0x6: {  	_ = 	snop  }
0x7: {  	_ = 	snop  }
__scs_overlays_trampoline_lowered:
0x8: {  	[smem:$0x3FA9] =	sst s0  }
0x9: {  	[smem:$0x3FAA] =	sst s1  }
0xa: {  	[smem:$0x3FAB] =	sst s2  }
0xb: {  	[smem:$0x3FAC] =	sst s3  }
0xc: {  	[smem:$0x3FAD] =	sst s4  }
0xd: {  	[smem:$0x3FAE] =	sst s5  }
0xe: {  	[smem:$0x3FAF] =	sst s6  }
0xf: {  	[smem:$0x3FB0] =	sst s7  }
0x10: {  	[smem:$0x3FB1] =	sst s8  }
0x11: {  	[smem:$0x3FB2] =	sst s9;
	s0 =	simm.s32 @!p0 $0x0  }
0x12: {  	s1 =	sld [smem:$0x3F98];
	s0 =	simm.s32 @p0 $0x1  }
0x13: {  	[smem:$0x3FB3] =	sst s0;
	s0 =	simm.s32 @!p1 $0x0  }
0x14: {  	s2 =	sld [smem:$0x3F97];
	s0 =	simm.s32 @p1 $0x1  }
0x15: {  	[smem:$0x3FB4] =	sst s0;
	s0 =	simm.s32 @!p2 $0x0  }
0x16: {  	s3 =	sld [smem:$0x3FDB];
	s0 =	simm.s32 @p2 $0x1  }
0x17: {  	s4 =	simm.s32 $0x1BF5;
	[smem:$0x3FB6] =	sst s0  }
0x18: {  	s0 =	sld [smem:$0x3F99];
	_ =	swait.ge [sflag:s4], $0x0  }
0x19: {  	s7 =	sld [smem:$0x3F9A]  }
0x1a: {  	s8 =	sadd.s32 $0xFFFFE003, lr  }
0x1b: {  	s9 =	sadd.s32 $0xFFFFFEF7, lr;
	s5 =	simm.s32 $0xFFFFFFFF;
	p2 =	slt.u32 s8, $0xFFFFF086  }
0x1c: {  	p1 =	slt.u32 s9, $0xF7A;
	s5 =	simm.s32 @!p2 $0x0  }
0x1d: {  	s5 =	simm.s32 @p1 $0x1;
	p0 =	seq.s32 s7, s2  }
0x1e: {  	s7 =	smul.u32 @!p0 $0xF7A, s2;
	p2 =	seq.s32 @!p0 s5, $0x0  }
0x1f: {  	s9 =	smul.u32 $0xF7A, s1;
	s8 =	simm.s32 @!p0 $0x1BF5;
	p2 =	por !p2, p0  }
0x20: {  	[sflag:s8] =	ssyncset.s32 @!p0 $0xFFFFF086;
	s6 =	sadd.s32 @!p0 s3, s7;
	s7 =	simm.s32 @!p0 $0x108  }
0x21: {  	s3 =	sadd.s32 s3, s9;
	s6 =	sadd.s32 @!p0 $0x88, s6;
	s7 =	simm.s32 @p2 $0x1082  }
0x22: {  	[simem:s7], [sflag:s8] =	dma.local @!p0 [hbm:s6], $0xF7A  }
0x23: {  	s9 =	sor.u32 $0xD0000000, s2;
	s6 =	simm.s32 $0x108;
	_ =	swait.ge @!p0 [sflag:s8], $0x0  }
0x24: {  	s3 =	sadd.s32 $0x88, s3;
	s6 =	simm.s32 @!p1 $0x1082;
	[sflag:s4] =	ssyncset.s32 $0xFFFFF086  }
0x25: {  	[simem:s6], [sflag:s4] =	dma.local [hbm:s3], $0xF7A  }
0x26: {  	[smem:$0x3F9A] =	sst s1;
	(tag) =	ssettag s2;
	_ =	strace s9  }
0x27: {  	s1 =	sld [smem:$0x3FAA]  }
0x28: {  	s2 =	sld [smem:$0x3FAB]  }
0x29: {  	s4 =	sld [smem:$0x3FAD]  }
0x2a: {  	p0 =	seq.s32 s5, $0x0;
	s5 =	sld [smem:$0x3FAE]  }
0x2b: {  	s6 =	sld [smem:$0x3FAF]  }
0x2c: {  	s7 =	sld [smem:$0x3FB0]  }
0x2d: {  	s3 =	simm.s32 $0x108;
	s8 =	sld [smem:$0x3FB1]  }
0x2e: {  	s3 =	simm.s32 @!p0 $0x1082;
	s9 =	sld [smem:$0x3FB2]  }
0x2f: {  	lr =	sadd.s32 s0, s3;
	s0 =	sld [smem:$0x3FA9]  }
0x30: {  	s3 =	sld [smem:$0x3FAC]  }
0x31: {  	[smem:$0x3FB5] =	sst s10  }
0x32: {  	s10 =	sld [smem:$0x3FB3];
	_ =	sdelay $0x3  }
0x33: {  	p0 =	seq.s32 s10, $0x1;
	s10 =	sld [smem:$0x3FB5];
	_ =	sdelay $0x3  }
0x34: {  	[smem:$0x3FB5] =	sst s10  }
0x35: {  	s10 =	sld [smem:$0x3FB4];
	_ =	sdelay $0x3  }
0x36: {  	p1 =	seq.s32 s10, $0x1;
	s10 =	sld [smem:$0x3FB5];
	_ =	sdelay $0x3  }
0x37: {  	[smem:$0x3FB5] =	sst s10  }
0x38: {  	s10 =	sld [smem:$0x3FB6]  }
0x39: {  	_ = 	snop;
	(pc) =	sbr.ind lr, $3  }
0x3a: {  	_ = 	snop  }
0x3b: {  	_ = 	snop  }
0x3c: {  	p2 =	seq.s32 s10, $0x1;
	s10 =	sld [smem:$0x3FB5]  }
0x3d: {  	_ =	shalt  }
0x3e: {  	_ =	shalt  }
0x3f: {  	_ =	shalt  }
0x40: {  	_ =	shalt  }
0x41: {  	_ =	shalt  }
0x42: {  	_ =	shalt  }
0x43: {  	_ =	shalt  }
0x44: {  	_ =	shalt  }
0x45: {  	_ =	shalt  }
0x46: {  	_ =	shalt  }
0x47: {  	_ =	shalt  }
0x48: {  	_ =	shalt  }
0x49: {  	_ =	shalt  }
0x4a: {  	_ =	shalt  }
0x4b: {  	_ =	shalt  }
0x4c: {  	_ =	shalt  }
0x4d: {  	_ =	shalt  }
0x4e: {  	_ =	shalt  }
0x4f: {  	_ =	shalt  }
0x50: {  	_ =	shalt  }
0x51: {  	_ =	shalt  }
0x52: {  	_ =	shalt  }
0x53: {  	_ =	shalt  }
0x54: {  	_ =	shalt  }
0x55: {  	_ =	shalt  }
0x56: {  	_ =	shalt  }
0x57: {  	_ =	shalt  }
0x58: {  	_ =	shalt  }
0x59: {  	_ =	shalt  }
0x5a: {  	_ =	shalt  }
0x5b: {  	_ =	shalt  }
0x5c: {  	_ =	shalt  }
0x5d: {  	_ =	shalt  }
0x5e: {  	_ =	shalt  }
0x5f: {  	_ =	shalt  }
0x60: {  	_ =	shalt  }
0x61: {  	_ =	shalt  }
0x62: {  	_ =	shalt  }
0x63: {  	_ =	shalt  }
0x64: {  	_ =	shalt  }
0x65: {  	_ =	shalt  }
0x66: {  	_ =	shalt  }
0x67: {  	_ =	shalt  }
0x68: {  	_ =	shalt  }
0x69: {  	_ =	shalt  }
0x6a: {  	_ =	shalt  }
0x6b: {  	_ =	shalt  }
0x6c: {  	_ =	shalt  }
0x6d: {  	_ =	shalt  }
0x6e: {  	_ =	shalt  }
0x6f: {  	_ =	shalt  }
0x70: {  	_ =	shalt  }
0x71: {  	_ =	shalt  }
0x72: {  	_ =	shalt  }
0x73: {  	_ =	shalt  }
0x74: {  	_ =	shalt  }
0x75: {  	_ =	shalt  }
0x76: {  	_ =	shalt  }
0x77: {  	_ =	shalt  }
0x78: {  	_ =	shalt  }
0x79: {  	_ =	shalt  }
0x7a: {  	_ =	shalt  }
0x7b: {  	_ =	shalt  }
0x7c: {  	_ =	shalt  }
0x7d: {  	_ =	shalt  }
0x7e: {  	_ =	shalt  }
0x7f: {  	_ =	shalt  }
0x80: {  	_ =	shalt  }
0x81: {  	_ =	shalt  }
0x82: {  	_ =	shalt  }
0x83: {  	_ =	shalt  }
0x84: {  	_ =	shalt  }
0x85: {  	_ =	shalt  }
0x86: {  	_ =	shalt  }
0x87: {  	_ =	shalt  }
.Lfunc_end0:
.L_simem_size_0:
called_computation.1_lowered:
.L_overlay_start_0:
0x88: {  	s2 =	sld [smem:$0x3FD9]  }
0x89: {  	s3 =	sld [smem:$0x3FFE];
	_ =	sdelay $0x1  }
0x8a: {  	s1 =	srdreg.scid  }
0x8b: {  	s0 =	sand.u32 $0x1, s1  }
0x8c: {  	s17 =	sshll.u32 s0, $0xA;
	s2 =	sadd.s32 s3, s2  }
0x8d: {  	s2 =	sadd.s32 s2, s17  }
0x8e: {  	[smem:$0x3FC1] =	sst s2  }
0x8f: {  	_ = 	snop  }
0x90: {  	s18 =	sld [smem:$0x3FC9];
	(tm) =	ssettm $0x1  }
0x91: {  	s19 =	sld [smem:$0x3FFB];
	_ =	sdelay $0x3  }
0x92: {  	_ =	strace s19  }
0x93: {  	s2 =	sld [smem:$0x3FFC];
	_ =	sdelay $0x3  }
0x94: {  	_ =	strace s2  }
0x95: {  	s2 =	sld [smem:$0x3FFD];
	_ =	sdelay $0x3  }
0x96: {  	_ =	strace s2  }
0x97: {  	_ =	strace $0x8FFFFFFF  }
0x98: {  	s20 =	sld [smem:$0x3FDB];
	_ =	sdelay $0x1  }
0x99: {  	s4 =	simm.s32 $_scs_section_size  }
0x9a: {  	s5 =	simm.s32 $_size__tile_overlayer_lowered;
	s6 =	simm.s32 $_tile_overlayer_lowered  }
0x9b: {  	s7 =	simm.s32 $0x1BFF;
	s21 =	sshll.u32 s6, $0x1;
	s4 =	sadd.s32 s4, s20  }
0x9c: {  	s22 =	simm.s32 $0x0;
	s5 =	sshll.u32 s5, $0x1;
	s6 =	sadd.s32 s21, s4  }
0x9d: {  	[timem:s22], [sflag:s7] =	dma.local [hbm:s6], s5  }
0x9e: {  	_ =	swait.ge [sflag:s7], s5  }
0x9f: {  	s5 =	ssub.s32 $0x0, s5;
	[sflag:s7] =	ssyncset.done $0x0  }
0xa0: {  	[sflag:s7] =	ssyncadd.s32 s5;
	_ =	sdelay $0x1  }
0xa1: {  	s23 =	simm.s32 $0x1B8B  }
0xa2: {  	_ =	swait.ge [sflag:s23], $0x1  }
0xa3: {  	[sflag:s23] =	ssyncset.done $0x0  }
0xa4: {  	[sflag:s23] =	ssyncadd.s32 $0xFFFFFFFF  }
0xa5: {  	s5 =	sld [smem:$0x0]  }
0xa6: {  	s6 =	sand.u32 $0xFFFFFFFE, s1  }
0xa7: {  	p0 =	sne.s32 s1, s6  }
0xa8: {  	s6 =	sshll.u32 @p0 s6, $0xE  }
0xa9: {  	s6 =	sadd.s32 @p0 $0x11B8D, s6;
	s7 =	sshll.u32 @p0 s5, $0x11  }
0xaa: {  	s6 =	sor.u32 @p0 s7, s6  }
0xab: {  	[sflag:s6] =	ssyncadd.remote.s32 @p0 $0x1;
	_ =	sdelay $0x1  }
0xac: {  	s6 =	simm.s32 @p0 $0x1B8D  }
0xad: {  	_ =	swait.eq @p0 [sflag:s6], $0x1  }
0xae: {  	[sflag:s6] =	ssyncadd.s32 @p0 $0xFFFFFFFF  }
0xaf: {  	s7 =	sshll.u32 @!p0 s1, $0xE  }
0xb0: {  	s7 =	sor.u32 @!p0 $0x4000, s7;
	s6 =	simm.s32 @!p0 $0x1B8D  }
0xb1: {  	s5 =	sshll.u32 @!p0 s5, $0x11;
	s7 =	sadd.s32 @!p0 $0x11B8D, s7;
	_ =	swait.eq @!p0 [sflag:s6], $0x1  }
0xb2: {  	s5 =	sor.u32 @!p0 s5, s7;
	[sflag:s6] =	ssyncadd.s32 @!p0 $0xFFFFFFFF  }
0xb3: {  	s25 =	simm.s32 $0x1B8E;
	s24 =	sld [smem:$0x3FFE];
	[sflag:s5] =	ssyncadd.remote.s32 @!p0 $0x1  }
0xb4: {  	s26 =	simm.s32 $execute0_lowered;
	[smem:$0x3FD2] =	sst s25  }
0xb5: {  	s6 =	sshll.u32 s26, $0x1;
	_ =	strace $0x80000049;
	[dreg:$0x1] =	wrdreg $0xFFFFFFFF  }
0xb6: {  	s28 =	simm.s32 $_size_execute0_lowered;
	s4 =	sadd.s32 s4, s6;
	[dreg:$0x0] =	wrdreg $0x0  }
0xb7: {  	s6 =	sshll.u32 s28, $0x1;
	[dreg:$0x2] =	wrdreg s4  }
0xb8: {  	[dreg:$0x3] =	wrdreg s6  }
0xb9: {  	[dreg:$0x4] =	wrdreg $0xC0  }
0xba: {  	_ =	task [dreg:s22], $0x5FFFF  }
0xbb: {  	[dreg:$0x1] =	wrdreg $0xFFFFFFFF  }
0xbc: {  	[dreg:$0x0] =	wrdreg $0x60  }
0xbd: {  	[dreg:$0x2] =	wrdreg s18  }
0xbe: {  	[dreg:$0x3] =	wrdreg s24  }
0xbf: {  	[dreg:$0x4] =	wrdreg $0xB8000  }
0xc0: {  	[dreg:$0x5] =	wrdreg $0xA  }
0xc1: {  	_ =	task.clear_ibuf [dreg:s22], $0x6FFFF;
	_ =	strace $0x90000049  }
0xc2: {  	s29 =	simm.s32 $0xA;
	_ =	strace $0x8000004B  }
0xc3: {  	_ =	swait.ge [sflag:s29], $0x1  }
0xc4: {  	[sflag:s29] =	ssyncadd.s32 $0xFFFFFFFF  }
0xc5: {  	_ =	strace $0x9000004B  }
0xc6: {  	_ =	sfence  }
0xc7: {  	s30 =	sld [smem:$0x0];
	_ =	sdelay $0x2  }
0xc8: {  	s31 =	sshll.u32 s1, $0xD;
	s1 =	sshrl.u32 s1, $0x2  }
0xc9: {  	s4 =	sand.u32 $0x4000, s31;
	s1 =	sadd.s32 s1, s30  }
0xca: {  	s0 =	sor.u32 s4, s0;
	s1 =	sshll.u32 s1, $0x11  }
0xcb: {  	s0 =	sor.u32 s1, s0  }
0xcc: {  	s0 =	sadd.s32 $0x8F2B, s0  }
0xcd: {  	[sflag:s0] =	ssyncadd.remote.s32 $0x1  }
0xce: {  	_ =	sfence.sel $0xFFFF  }
0xcf: {  	[dreg:$0x0] =	wrdreg $0xFFFFFFFF;
	(pc) =	sbr.abs _section_cstart, $3  }
0xd0: {  	[dreg:$0x1] =	wrdreg $0xFFFFFFFF  }
0xd1: {  	_ =	task.clear_ibuf [dreg:s22], $0x2FFFF;
	_ =	strace $0x9FFFFFFF  }
0xd2: {  	(tm) =	ssettm $0x7FFFFFFF  }
0xd3: {  	_ =	shalt  }
tec
execute0_lowered:
.L_overlay_start_1:
0x0: {  	(tag) =	ssettag $0x1  }
0x1: {  	s1 =	rddreg [dreg:$0x0]  }
0x2: {  	s5 =	rddreg [dreg:$0x1]  }
0x3: {  	s2 =	rddreg [dreg:$0x2]  }
0x4: {  	s3 =	srdreg.scid;
	s0 =	rddreg [dreg:$0x3];
	s4 =	simm.s32 $0x0  }
0x5: {  	s13 =	simm.s32 $0x7800;
	s14 =	simm.s32 $0x2;
	s15 =	simm.s32 $0x80  }
0x6: {  	s16 =	simm.s32 $0x1;
	s6 =	sand.u32 $0x1, s3;
	s3 =	stileid.u32  }
0x7: {  	[smem:$0x7FF] =	sst s4;
	s7 =	sshll.u32 s6, $0x4;
	s8 =	smul.u32 $0x140000, s6  }
0x8: {  	s9 =	smul.u32 $0x14000, s3;
	_ =	strace $0x8000004A;
	s6 =	ssub.s32 $0x2, s6  }
0x9: {  	s30 =	smul.u32 $0x50000, s3;
	s17 =	sshll.u32 s3, $0x6;
	s7 =	sor.u32 s3, s7  }
0xa: {  	s10 =	sshrl.u32 s6, $0x1;
	s7 =	smul.u32 $0x500, s7;
	s8 =	sadd.s32 s9, s8  }
0xb: {  	s17 =	sor.u32 $0x1C02, s17;
	s10 =	ssub.s32 s6, s10;
	s8 =	sshrl.u32 s8, $0x3  }
0xc: {  	s31 =	sshrl.u32 s30, $0x2;
	s7 =	sadd.s32 s7, s5;
	s8 =	sadd.s32 s8, s5  }
0xd: {  	s5 =	sadd.s32 s31, s2;
	s6 =	sadd.s32 $0x3000, s7;
	s7 =	sadd.s32 $0x17000, s8  }
0xe: {  	s8 =	smax.u32 s10, $0x1;
	s9 =	sadd.s32 $0x4000, s5;
	s10 =	sadd.s32 $0x8000, s5  }
0xf: {  	v0 =	vimm.f32 $0.0e+00;
	s11 =	sadd.s32 $0xC000, s5;
	s12 =	sadd.s32 $0x10000, s5;
	s18 =	sshrl.u32 s5, $0x3  }
.LBB2_1:
0x10: {  	s19 =	simm.s32 $0x0;
	s20 =	simm.s32 $0x200  }
.LBB2_2:
0x11: {  	p0 =	sne.s32 s20, $0xFE00;
	[tilespmem:s19+$0x7870] =	vst v0  }
0x12: {  	[tilespmem:s19+$0x7800] =	vst v0  }
0x13: {  	[tilespmem:s19+$0x7810] =	vst v0  }
.Ltmp0:
0x14: {  	[tilespmem:s19+$0x7820] =	vst v0;
	(pc) =	sbr.rel @p0 .LBB2_2-.Ltmp0, $4  }
0x15: {  	[tilespmem:s19+$0x7830] =	vst v0  }
0x16: {  	[tilespmem:s19+$0x7840] =	vst v0  }
0x17: {  	[tilespmem:s19+$0x7850] =	vst v0  }
0x18: {  	[tilespmem:s19+$0x7860] =	vst v0;
	s19 =	sshra.s32 s20, $0x2;
	s20 =	sadd.s32 $0x200, s20  }
0x19: {  	[tilespmem:s19+$0x7870] =	vst v0  }
0x1a: {  	[tilespmem:s19+$0x7800] =	vst v0  }
0x1b: {  	[tilespmem:s19+$0x7810] =	vst v0  }
0x1c: {  	[tilespmem:s19+$0x7820] =	vst v0  }
0x1d: {  	[tilespmem:s19+$0x7830] =	vst v0  }
0x1e: {  	[tilespmem:s19+$0x7840] =	vst v0  }
0x1f: {  	[tilespmem:s19+$0x7850] =	vst v0  }
0x20: {  	[tilespmem:s19+$0x7860] =	vst v0  }
0x21: {  	[spmem:s5] =	stream.linear.scatter [tilespmem:s13], [sflag:$0x2], $0x4000, $0x38;
	[tilespmem:$0x1F800] =	vst v63  }
0x22: {  	_ =	swait.ge [sflag:s14], $0x4000  }
0x23: {  	[sflag:s14] =	ssyncset.done $0x0  }
0x24: {  	[sflag:s14] =	ssyncadd.s32 $0xFFFFC000  }
0x25: {  	[spmem:s9] =	stream.linear.scatter [tilespmem:s13], [sflag:$0x2], $0x4000, $0x38;
	[tilespmem:$0x1F800] =	vst v63  }
0x26: {  	_ =	swait.ge [sflag:s14], $0x4000  }
0x27: {  	[sflag:s14] =	ssyncset.done $0x0  }
0x28: {  	[sflag:s14] =	ssyncadd.s32 $0xFFFFC000  }
0x29: {  	[spmem:s10] =	stream.linear.scatter [tilespmem:s13], [sflag:$0x2], $0x4000, $0x38;
	[tilespmem:$0x1F800] =	vst v63  }
0x2a: {  	_ =	swait.ge [sflag:s14], $0x4000  }
0x2b: {  	[sflag:s14] =	ssyncset.done $0x0  }
0x2c: {  	[sflag:s14] =	ssyncadd.s32 $0xFFFFC000  }
0x2d: {  	[spmem:s11] =	stream.linear.scatter [tilespmem:s13], [sflag:$0x2], $0x4000, $0x38;
	[tilespmem:$0x1F800] =	vst v63  }
0x2e: {  	_ =	swait.ge [sflag:s14], $0x4000  }
0x2f: {  	[sflag:s14] =	ssyncset.done $0x0  }
0x30: {  	[sflag:s14] =	ssyncadd.s32 $0xFFFFC000  }
0x31: {  	[spmem:s12] =	stream.linear.scatter [tilespmem:s13], [sflag:$0x2], $0x4000, $0x38;
	[tilespmem:$0x1F800] =	vst v63  }
0x32: {  	_ =	swait.ge [sflag:s14], $0x4000  }
0x33: {  	[sflag:s14] =	ssyncset.done $0x0  }
0x34: {  	[sflag:s14] =	ssyncadd.s32 $0xFFFFC000  }
0x35: {  	s31 =	simm.s32 $0x0;
	[bflag:$0x0] =	sbarrier.arrive $0xFFFF  }
0x36: {  	[tilespmem:s31], [sflag:$0x2] =	stream.linear.gather [hbm4b:s6+s31], $0x2800, $0x38;
	[tilespmem:$0x1F800] =	vst v63  }
0x37: {  	_ =	swait.ge [sflag:s14], $0x2800  }
0x38: {  	[sflag:s14] =	ssyncset.done $0x0  }
0x39: {  	s19 =	simm.s32 $0x0;
	[sflag:s14] =	ssyncadd.s32 $0xFFFFD800  }
0x3a: {  	v1 =	vld [tilespmem:s19+$0x70]  }
0x3b: {  	v2 =	vld [tilespmem:s19+$0x0];
	_ =	sdelay $0x1  }
0x3c: {  	v3 =	vld [tilespmem:s19+$0x10]  }
0x3d: {  	v6 =	vld [tilespmem:s19+$0x40]  }
0x3e: {  	v7 =	vshra.s32 v1, $0xE  }
0x3f: {  	v4 =	vld [tilespmem:s19+$0x20];
	v9 =	vand.u32 $0x3FFF, v2;
	[tilespmem:s19+$0x5070] =	vst v7  }
0x40: {  	v2 =	vshra.s32 v2, $0xE;
	[tilespmem:s19+$0x2800] =	vst v9  }
0x41: {  	v5 =	vld [tilespmem:s19+$0x30];
	v62 =	vand.u32 $0x3FFF, v3;
	[tilespmem:s19+$0x5000] =	vst v2  }
0x42: {  	v8 =	vld [tilespmem:s19+$0x50];
	v63 =	vand.u32 $0x3FFF, v6;
	[tilespmem:s19+$0x2810] =	vst v62  }
0x43: {  	v7 =	vld [tilespmem:s19+$0x60];
	v2 =	vshra.s32 v3, $0xE;
	[tilespmem:s19+$0x2840] =	vst v63  }
0x44: {  	v3 =	vand.u32 $0x3FFF, v4;
	[tilespmem:s19+$0x5010] =	vst v2  }
0x45: {  	v2 =	vshra.s32 v4, $0xE;
	[tilespmem:s19+$0x2820] =	vst v3  }
0x46: {  	v1 =	vand.u32 $0x3FFF, v1;
	v3 =	vand.u32 $0x3FFF, v5;
	[tilespmem:s19+$0x5020] =	vst v2  }
0x47: {  	v6 =	vshra.s32 v6, $0xE;
	v4 =	vshra.s32 v8, $0xE;
	v2 =	vshra.s32 v5, $0xE;
	[tilespmem:s19+$0x2830] =	vst v3  }
0x48: {  	s20 =	simm.s32 $0x80;
	s21 =	simm.s32 $0x400;
	v5 =	vand.u32 $0x3FFF, v8;
	[tilespmem:s19+$0x5030] =	vst v2;
	v3 =	vand.u32 $0x3FFF, v7;
	v2 =	vshra.s32 v7, $0xE  }
.LBB2_4:
0x49: {  	p0 =	sne.s32 s21, $0x9E00;
	v7 =	vld [tilespmem:s20+$0x70];
	[tilespmem:s19+$0x5040] =	vst v6  }
0x4a: {  	v6 =	vld [tilespmem:s20+$0x0];
	[tilespmem:s19+$0x2850] =	vst v5  }
0x4b: {  	v5 =	vld [tilespmem:s20+$0x10];
	[tilespmem:s19+$0x5050] =	vst v4  }
0x4c: {  	v4 =	vld [tilespmem:s20+$0x20];
	[tilespmem:s19+$0x2860] =	vst v3  }
0x4d: {  	v3 =	vld [tilespmem:s20+$0x30];
	[tilespmem:s19+$0x5060] =	vst v2  }
0x4e: {  	v2 =	vld [tilespmem:s20+$0x40];
	v8 =	vshra.s32 v7, $0xE;
	[tilespmem:s19+$0x2870] =	vst v1;
	v1 =	vand.u32 $0x3FFF, v7;
	s19 =	smov.u32 s20  }
0x4f: {  	v7 =	vand.u32 $0x3FFF, v6;
	v6 =	vshra.s32 v6, $0xE;
	v9 =	vld [tilespmem:s19+$0x50];
	[tilespmem:s19+$0x5070] =	vst v8  }
0x50: {  	[tilespmem:s19+$0x2800] =	vst v7;
	v7 =	vand.u32 $0x3FFF, v5;
	v5 =	vshra.s32 v5, $0xE;
	v8 =	vld [tilespmem:s19+$0x60]  }
0x51: {  	[tilespmem:s19+$0x5000] =	vst v6;
	v10 =	vand.u32 $0x3FFF, v4;
	v11 =	vshra.s32 v4, $0xE  }
0x52: {  	[tilespmem:s19+$0x2810] =	vst v7;
	v7 =	vand.u32 $0x3FFF, v3;
	v12 =	vshra.s32 v3, $0xE  }
0x53: {  	[tilespmem:s19+$0x5010] =	vst v5;
	v13 =	vand.u32 $0x3FFF, v2;
	v6 =	vshra.s32 v2, $0xE  }
.Ltmp1:
0x54: {  	[tilespmem:s19+$0x2820] =	vst v10;
	v5 =	vand.u32 $0x3FFF, v9;
	v4 =	vshra.s32 v9, $0xE;
	(pc) =	sbr.rel @p0 .LBB2_4-.Ltmp1, $4  }
0x55: {  	[tilespmem:s19+$0x5020] =	vst v11;
	v3 =	vand.u32 $0x3FFF, v8;
	v2 =	vshra.s32 v8, $0xE  }
0x56: {  	[tilespmem:s19+$0x2830] =	vst v7  }
0x57: {  	[tilespmem:s19+$0x5030] =	vst v12  }
0x58: {  	s20 =	sshra.s32 s21, $0x2;
	s21 =	sadd.s32 $0x200, s21;
	[tilespmem:s19+$0x2840] =	vst v13  }
0x59: {  	v7 =	vld [tilespmem:s20+$0x70];
	[tilespmem:s19+$0x5040] =	vst v6  }
0x5a: {  	v6 =	vld [tilespmem:s20+$0x0];
	[tilespmem:s19+$0x2850] =	vst v5  }
0x5b: {  	v5 =	vld [tilespmem:s20+$0x10];
	[tilespmem:s19+$0x5050] =	vst v4  }
0x5c: {  	v4 =	vld [tilespmem:s20+$0x20];
	[tilespmem:s19+$0x2860] =	vst v3  }
0x5d: {  	v3 =	vld [tilespmem:s20+$0x30];
	[tilespmem:s19+$0x5060] =	vst v2  }
0x5e: {  	v2 =	vld [tilespmem:s20+$0x40];
	[tilespmem:s19+$0x2870] =	vst v1;
	v1 =	vshra.s32 v7, $0xE  }
0x5f: {  	v9 =	vand.u32 $0x3FFF, v6;
	[tilespmem:s20+$0x5070] =	vst v1  }
0x60: {  	v1 =	vshra.s32 v6, $0xE;
	[tilespmem:s20+$0x2800] =	vst v9  }
0x61: {  	v61 =	vand.u32 $0x3FFF, v5;
	[tilespmem:s20+$0x5000] =	vst v1  }
0x62: {  	v1 =	vshra.s32 v5, $0xE;
	[tilespmem:s20+$0x2810] =	vst v61  }
0x63: {  	v62 =	vand.u32 $0x3FFF, v4;
	[tilespmem:s20+$0x5010] =	vst v1  }
0x64: {  	v8 =	vld [tilespmem:s20+$0x50];
	v1 =	vshra.s32 v4, $0xE;
	[tilespmem:s20+$0x2820] =	vst v62  }
0x65: {  	v63 =	vand.u32 $0x3FFF, v3;
	[tilespmem:s20+$0x5020] =	vst v1  }
0x66: {  	v60 =	vld [tilespmem:s20+$0x60];
	v1 =	vshra.s32 v3, $0xE;
	[tilespmem:s20+$0x2830] =	vst v63  }
0x67: {  	v3 =	vand.u32 $0x3FFF, v2;
	[tilespmem:s20+$0x5030] =	vst v1  }
0x68: {  	v1 =	vshra.s32 v2, $0xE;
	[tilespmem:s20+$0x2840] =	vst v3  }
0x69: {  	v2 =	vand.u32 $0x3FFF, v8;
	[tilespmem:s20+$0x5040] =	vst v1  }
0x6a: {  	v1 =	vshra.s32 v8, $0xE;
	[tilespmem:s20+$0x2850] =	vst v2  }
0x6b: {  	v2 =	vand.u32 $0x3FFF, v60;
	[tilespmem:s20+$0x5050] =	vst v1  }
0x6c: {  	v1 =	vshra.s32 v60, $0xE;
	[tilespmem:s20+$0x2860] =	vst v2  }
0x6d: {  	v2 =	vand.u32 $0x3FFF, v7;
	[tilespmem:s20+$0x5060] =	vst v1  }
0x6e: {  	s30 =	simm.s32 $0x2800;
	[tilespmem:s20+$0x2870] =	vst v2  }
0x6f: {  	[tilespmem:s13], [sflag:$0x1] =	stream.indirect.gather [hbm4b:s1+s15], $0x80, s30, s15, $0xb8;
	[tilespmem:$0x1F800] =	vst v63  }
0x70: {  	_ =	swait.ge [sflag:s16], $0x4000  }
0x71: {  	[sflag:s16] =	ssyncset.done $0x0  }
0x72: {  	s31 =	simm.s32 $0x5000;
	[sflag:s16] =	ssyncadd.s32 $0xFFFFC000  }
0x73: {  	[spmem:s2] =	stream.indirect.scatter.add.f32 [tilespmem:s13], [sflag:$0x2], $0x80, s31, s15, $0xb8;
	[tilespmem:$0x1F800] =	vst v63  }
0x74: {  	_ =	swait.ge [sflag:s14], $0x4000  }
0x75: {  	s19 =	simm.s32 $0x80;
	s20 =	simm.s32 $0x400;
	[sflag:s14] =	ssyncset.done $0x0  }
.LBB2_6:
0x76: {  	s21 =	sadd.s32 $0x2800, s19  }
0x77: {  	[sflag:s14] =	ssyncadd.s32 $0xFFFFC000;
	s22 =	smov.u32 s20;
	s23 =	sadd.s32 $0x200, s20  }
0x78: {  	[tilespmem:s13], [sflag:$0x1] =	stream.indirect.gather [hbm4b:s1+s15], $0x80, s21, s15, $0xb8;
	[tilespmem:$0x1F800] =	vst v63  }
0x79: {  	p0 =	sne.s32 s20, $0x9E00;
	_ =	swait.ge [sflag:s16], $0x4000  }
.Ltmp2:
0x7a: {  	[sflag:s16] =	ssyncset.done $0x0;
	(pc) =	sbr.rel @p0 .LBB2_6-.Ltmp2, $4  }
0x7b: {  	s19 =	sadd.s32 $0x5000, s19;
	[sflag:s16] =	ssyncadd.s32 $0xFFFFC000  }
0x7c: {  	[spmem:s2] =	stream.indirect.scatter.add.f32 [tilespmem:s13], [sflag:$0x2], $0x80, s19, s15, $0xb8;
	[tilespmem:$0x1F800] =	vst v63  }
0x7d: {  	_ =	swait.ge [sflag:s14], $0x4000  }
0x7e: {  	s20 =	smov.u32 s23;
	s19 =	sshra.s32 s22, $0x2;
	[sflag:s14] =	ssyncset.done $0x0  }
0x7f: {  	s20 =	sadd.s32 $0x2800, s19;
	[sflag:s14] =	ssyncadd.s32 $0xFFFFC000  }
0x80: {  	[tilespmem:s13], [sflag:$0x1] =	stream.indirect.gather [hbm4b:s1+s15], $0x80, s20, s15, $0xb8;
	[tilespmem:$0x1F800] =	vst v63  }
0x81: {  	_ =	swait.ge [sflag:s16], $0x4000  }
0x82: {  	[sflag:s16] =	ssyncset.done $0x0  }
0x83: {  	s31 =	sadd.s32 $0x5000, s19;
	[sflag:s16] =	ssyncadd.s32 $0xFFFFC000  }
0x84: {  	[spmem:s2] =	stream.indirect.scatter.add.f32 [tilespmem:s13], [sflag:$0x2], $0x80, s31, s15, $0xb8;
	[tilespmem:$0x1F800] =	vst v63  }
0x85: {  	_ =	swait.ge [sflag:s14], $0x4000  }
0x86: {  	s4 =	sadd.s32 $0x1, s4;
	[sflag:s14] =	ssyncset.done $0x0  }
0x87: {  	p0 =	sne.s32 s4, s8;
	[sflag:s14] =	ssyncadd.s32 $0xFFFFC000  }
.Ltmp3:
0x88: {  	[bflag:$0x0] =	sbarrier.arrive $0xFFFF;
	(pc) =	sbr.rel @p0 .LBB2_1-.Ltmp3, $4  }
0x89: {  	[hbm:s7], [sflag:s17] =	dma.local [spmem:s18], $0x2800  }
0x8a: {  	_ =	swait.ge [sflag:s14], $0x2800  }
0x8b: {  	[sflag:s14] =	ssyncset.done $0x0  }
0x8c: {  	[sflag:s14] =	ssyncadd.s32 $0xFFFFD800  }
0x8d: {  	_ =	sfence.sel $0x180000  }
0x8e: {  	[bflag:$0x0] =	sbarrier.arrive $0xFFFF  }
0x8f: {  	p0 =	sne.s32 s3, $0x0;
	_ =	strace $0x9000004A  }
0x90: {  	s0 =	sadd.s32 @!p0 $0x100000, s0;
	[bflag:$0x2] =	sbarrier.arrive $0xFFFF  }
0x91: {  	[sflag:s0] =	ssyncadd.tile.s32 @!p0 $0x1;
	_ =	shalt  }
.Lfunc_end2:
_tile_overlayer_lowered:
.L_overlay_start_2:
0x92: {  	(tag) =	ssettag $0x2  }
0x93: {  	s0 =	rddreg [dreg:$0x0];
	s2 =	stileid.u32  }
0x94: {  	s1 =	rddreg [dreg:$0x1];
	p0 =	sne.s32 s2, $0x0  }
0x95: {  	s3 =	rddreg [dreg:$0x2];
	[bflag:$0x3] =	sbarrier.arrive $0xFFFF;
	s2 =	simm.s32 @!p0 $0x1C02  }
0x96: {  	[timem:s3], [sflag:s2] =	dma.local @!p0 [hbm:s0], s1  }
0x97: {  	s0 =	simm.s32 @!p0 $0x2  }
0x98: {  	_ =	swait.ge @!p0 [sflag:s0], s1  }
0x99: {  	s1 =	ssub.s32 @!p0 $0x0, s1;
	[sflag:s0] =	ssyncset.done @!p0 $0x0  }
0x9a: {  	[sflag:s0] =	ssyncadd.s32 @!p0 s1  }
0x9b: {  	[bflag:$0x3] =	sbarrier.arrive $0xFFFF  }
0x9c: {  	_ =	shalt  }

// kernel: kernel.15.cloned.1.call-start
scs
__scs_entry_jumppad:
0x0: {  	(pc) =	sbr.rel $0x88, $3  }
0x1: {  	(tag) =	ssettag $0x0;
	lr =	simm.s32 $0x1  }
0x2: {  	[smem:$0x3F9A] =	sst lr;
	_ =	strace $0xD0000000  }
0x3: {  	_ = 	snop  }
0x4: {  	_ = 	snop  }
0x5: {  	_ = 	snop  }
0x6: {  	_ = 	snop  }
0x7: {  	_ = 	snop  }
__scs_overlays_trampoline_lowered:
0x8: {  	[smem:$0x3FA9] =	sst s0  }
0x9: {  	[smem:$0x3FAA] =	sst s1  }
0xa: {  	[smem:$0x3FAB] =	sst s2  }
0xb: {  	[smem:$0x3FAC] =	sst s3  }
0xc: {  	[smem:$0x3FAD] =	sst s4  }
0xd: {  	[smem:$0x3FAE] =	sst s5  }
0xe: {  	[smem:$0x3FAF] =	sst s6  }
0xf: {  	[smem:$0x3FB0] =	sst s7  }
0x10: {  	[smem:$0x3FB1] =	sst s8  }
0x11: {  	[smem:$0x3FB2] =	sst s9;
	s0 =	simm.s32 @!p0 $0x0  }
0x12: {  	s1 =	sld [smem:$0x3F98];
	s0 =	simm.s32 @p0 $0x1  }
0x13: {  	[smem:$0x3FB3] =	sst s0;
	s0 =	simm.s32 @!p1 $0x0  }
0x14: {  	s2 =	sld [smem:$0x3F97];
	s0 =	simm.s32 @p1 $0x1  }
0x15: {  	[smem:$0x3FB4] =	sst s0;
	s0 =	simm.s32 @!p2 $0x0  }
0x16: {  	s3 =	sld [smem:$0x3FDB];
	s0 =	simm.s32 @p2 $0x1  }
0x17: {  	s4 =	simm.s32 $0x1BF5;
	[smem:$0x3FB6] =	sst s0  }
0x18: {  	s0 =	sld [smem:$0x3F99];
	_ =	swait.ge [sflag:s4], $0x0  }
0x19: {  	s7 =	sld [smem:$0x3F9A]  }
0x1a: {  	s8 =	sadd.s32 $0xFFFFE003, lr  }
0x1b: {  	s9 =	sadd.s32 $0xFFFFFEF7, lr;
	s5 =	simm.s32 $0xFFFFFFFF;
	p2 =	slt.u32 s8, $0xFFFFF086  }
0x1c: {  	p1 =	slt.u32 s9, $0xF7A;
	s5 =	simm.s32 @!p2 $0x0  }
0x1d: {  	s5 =	simm.s32 @p1 $0x1;
	p0 =	seq.s32 s7, s2  }
0x1e: {  	s7 =	smul.u32 @!p0 $0xF7A, s2;
	p2 =	seq.s32 @!p0 s5, $0x0  }
0x1f: {  	s9 =	smul.u32 $0xF7A, s1;
	s8 =	simm.s32 @!p0 $0x1BF5;
	p2 =	por !p2, p0  }
0x20: {  	[sflag:s8] =	ssyncset.s32 @!p0 $0xFFFFF086;
	s6 =	sadd.s32 @!p0 s3, s7;
	s7 =	simm.s32 @!p0 $0x108  }
0x21: {  	s3 =	sadd.s32 s3, s9;
	s6 =	sadd.s32 @!p0 $0x88, s6;
	s7 =	simm.s32 @p2 $0x1082  }
0x22: {  	[simem:s7], [sflag:s8] =	dma.local @!p0 [hbm:s6], $0xF7A  }
0x23: {  	s9 =	sor.u32 $0xD0000000, s2;
	s6 =	simm.s32 $0x108;
	_ =	swait.ge @!p0 [sflag:s8], $0x0  }
0x24: {  	s3 =	sadd.s32 $0x88, s3;
	s6 =	simm.s32 @!p1 $0x1082;
	[sflag:s4] =	ssyncset.s32 $0xFFFFF086  }
0x25: {  	[simem:s6], [sflag:s4] =	dma.local [hbm:s3], $0xF7A  }
0x26: {  	[smem:$0x3F9A] =	sst s1;
	(tag) =	ssettag s2;
	_ =	strace s9  }
0x27: {  	s1 =	sld [smem:$0x3FAA]  }
0x28: {  	s2 =	sld [smem:$0x3FAB]  }
0x29: {  	s4 =	sld [smem:$0x3FAD]  }
0x2a: {  	p0 =	seq.s32 s5, $0x0;
	s5 =	sld [smem:$0x3FAE]  }
0x2b: {  	s6 =	sld [smem:$0x3FAF]  }
0x2c: {  	s7 =	sld [smem:$0x3FB0]  }
0x2d: {  	s3 =	simm.s32 $0x108;
	s8 =	sld [smem:$0x3FB1]  }
0x2e: {  	s3 =	simm.s32 @!p0 $0x1082;
	s9 =	sld [smem:$0x3FB2]  }
0x2f: {  	lr =	sadd.s32 s0, s3;
	s0 =	sld [smem:$0x3FA9]  }
0x30: {  	s3 =	sld [smem:$0x3FAC]  }
0x31: {  	[smem:$0x3FB5] =	sst s10  }
0x32: {  	s10 =	sld [smem:$0x3FB3];
	_ =	sdelay $0x3  }
0x33: {  	p0 =	seq.s32 s10, $0x1;
	s10 =	sld [smem:$0x3FB5];
	_ =	sdelay $0x3  }
0x34: {  	[smem:$0x3FB5] =	sst s10  }
0x35: {  	s10 =	sld [smem:$0x3FB4];
	_ =	sdelay $0x3  }
0x36: {  	p1 =	seq.s32 s10, $0x1;
	s10 =	sld [smem:$0x3FB5];
	_ =	sdelay $0x3  }
0x37: {  	[smem:$0x3FB5] =	sst s10  }
0x38: {  	s10 =	sld [smem:$0x3FB6]  }
0x39: {  	_ = 	snop;
	(pc) =	sbr.ind lr, $3  }
0x3a: {  	_ = 	snop  }
0x3b: {  	_ = 	snop  }
0x3c: {  	p2 =	seq.s32 s10, $0x1;
	s10 =	sld [smem:$0x3FB5]  }
0x3d: {  	_ =	shalt  }
0x3e: {  	_ =	shalt  }
0x3f: {  	_ =	shalt  }
0x40: {  	_ =	shalt  }
0x41: {  	_ =	shalt  }
0x42: {  	_ =	shalt  }
0x43: {  	_ =	shalt  }
0x44: {  	_ =	shalt  }
0x45: {  	_ =	shalt  }
0x46: {  	_ =	shalt  }
0x47: {  	_ =	shalt  }
0x48: {  	_ =	shalt  }
0x49: {  	_ =	shalt  }
0x4a: {  	_ =	shalt  }
0x4b: {  	_ =	shalt  }
0x4c: {  	_ =	shalt  }
0x4d: {  	_ =	shalt  }
0x4e: {  	_ =	shalt  }
0x4f: {  	_ =	shalt  }
0x50: {  	_ =	shalt  }
0x51: {  	_ =	shalt  }
0x52: {  	_ =	shalt  }
0x53: {  	_ =	shalt  }
0x54: {  	_ =	shalt  }
0x55: {  	_ =	shalt  }
0x56: {  	_ =	shalt  }
0x57: {  	_ =	shalt  }
0x58: {  	_ =	shalt  }
0x59: {  	_ =	shalt  }
0x5a: {  	_ =	shalt  }
0x5b: {  	_ =	shalt  }
0x5c: {  	_ =	shalt  }
0x5d: {  	_ =	shalt  }
0x5e: {  	_ =	shalt  }
0x5f: {  	_ =	shalt  }
0x60: {  	_ =	shalt  }
0x61: {  	_ =	shalt  }
0x62: {  	_ =	shalt  }
0x63: {  	_ =	shalt  }
0x64: {  	_ =	shalt  }
0x65: {  	_ =	shalt  }
0x66: {  	_ =	shalt  }
0x67: {  	_ =	shalt  }
0x68: {  	_ =	shalt  }
0x69: {  	_ =	shalt  }
0x6a: {  	_ =	shalt  }
0x6b: {  	_ =	shalt  }
0x6c: {  	_ =	shalt  }
0x6d: {  	_ =	shalt  }
0x6e: {  	_ =	shalt  }
0x6f: {  	_ =	shalt  }
0x70: {  	_ =	shalt  }
0x71: {  	_ =	shalt  }
0x72: {  	_ =	shalt  }
0x73: {  	_ =	shalt  }
0x74: {  	_ =	shalt  }
0x75: {  	_ =	shalt  }
0x76: {  	_ =	shalt  }
0x77: {  	_ =	shalt  }
0x78: {  	_ =	shalt  }
0x79: {  	_ =	shalt  }
0x7a: {  	_ =	shalt  }
0x7b: {  	_ =	shalt  }
0x7c: {  	_ =	shalt  }
0x7d: {  	_ =	shalt  }
0x7e: {  	_ =	shalt  }
0x7f: {  	_ =	shalt  }
0x80: {  	_ =	shalt  }
0x81: {  	_ =	shalt  }
0x82: {  	_ =	shalt  }
0x83: {  	_ =	shalt  }
0x84: {  	_ =	shalt  }
0x85: {  	_ =	shalt  }
0x86: {  	_ =	shalt  }
0x87: {  	_ =	shalt  }
.Lfunc_end0:
.L_simem_size_0:
called_computation.2_lowered:
.L_overlay_start_0:
0x88: {  	s2 =	sld [smem:$0x3FD9]  }
0x89: {  	s3 =	sld [smem:$0x3FFE];
	_ =	sdelay $0x1  }
0x8a: {  	s1 =	srdreg.scid  }
0x8b: {  	s0 =	sand.u32 $0x1, s1  }
0x8c: {  	s17 =	sshll.u32 s0, $0xA;
	s2 =	sadd.s32 s3, s2  }
0x8d: {  	s2 =	sadd.s32 s2, s17  }
0x8e: {  	[smem:$0x3FC1] =	sst s2  }
0x8f: {  	_ = 	snop  }
0x90: {  	s2 =	sld [smem:$0x3FD0];
	(tm) =	ssettm $0x1  }
0x91: {  	s18 =	sld [smem:$0x3FFB];
	_ =	sdelay $0x3  }
0x92: {  	_ =	strace s18  }
0x93: {  	s3 =	sld [smem:$0x3FFC];
	_ =	sdelay $0x3  }
0x94: {  	_ =	strace s3  }
0x95: {  	s3 =	sld [smem:$0x3FFD];
	_ =	sdelay $0x3  }
0x96: {  	_ =	strace s3  }
0x97: {  	_ =	strace $0x8FFFFFFF  }
0x98: {  	s19 =	sld [smem:$0x3FDB];
	_ =	sdelay $0x1  }
0x99: {  	s4 =	simm.s32 $_scs_section_size  }
0x9a: {  	s5 =	simm.s32 $_size__tile_overlayer_lowered;
	s6 =	simm.s32 $_tile_overlayer_lowered  }
0x9b: {  	s22 =	simm.s32 $0x1BFF;
	s21 =	sshll.u32 s6, $0x1;
	s3 =	sadd.s32 s4, s19  }
0x9c: {  	s7 =	simm.s32 $0x0;
	s20 =	sshll.u32 s5, $0x1;
	s5 =	sadd.s32 s21, s3  }
0x9d: {  	[timem:s7], [sflag:s22] =	dma.local [hbm:s5], s20  }
0x9e: {  	_ =	swait.ge [sflag:s22], s20  }
0x9f: {  	s4 =	ssub.s32 $0x0, s20;
	[sflag:s22] =	ssyncset.done $0x0  }
0xa0: {  	[sflag:s22] =	ssyncadd.s32 s4;
	_ =	sdelay $0x1  }
0xa1: {  	s23 =	simm.s32 $0x1B8B  }
0xa2: {  	_ =	swait.ge [sflag:s23], $0x1  }
0xa3: {  	[sflag:s23] =	ssyncset.done $0x0  }
0xa4: {  	s25 =	simm.s32 $0x1B8E;
	s24 =	sld [smem:$0x3FFE];
	[sflag:s23] =	ssyncadd.s32 $0xFFFFFFFF  }
0xa5: {  	s26 =	simm.s32 $execute0_lowered;
	[smem:$0x3FD2] =	sst s25  }
0xa6: {  	s5 =	sshll.u32 s26, $0x1;
	_ =	strace $0x8000004C;
	[dreg:$0x1] =	wrdreg $0xFFFFFFFF  }
0xa7: {  	s28 =	simm.s32 $_size_execute0_lowered;
	s3 =	sadd.s32 s3, s5;
	[dreg:$0x0] =	wrdreg $0x0  }
0xa8: {  	s5 =	sshll.u32 s28, $0x1;
	[dreg:$0x2] =	wrdreg s3  }
0xa9: {  	[dreg:$0x3] =	wrdreg s5  }
0xaa: {  	[dreg:$0x4] =	wrdreg $0xC0  }
0xab: {  	_ =	task [dreg:s7], $0x5FFFF  }
0xac: {  	[dreg:$0x1] =	wrdreg $0xFFFFFFFF  }
0xad: {  	[dreg:$0x0] =	wrdreg $0x60  }
0xae: {  	[dreg:$0x2] =	wrdreg s2  }
0xaf: {  	[dreg:$0x3] =	wrdreg s24  }
0xb0: {  	[dreg:$0x4] =	wrdreg $0xB8000  }
0xb1: {  	[dreg:$0x5] =	wrdreg $0x9  }
0xb2: {  	_ =	task.clear_ibuf [dreg:s7], $0x6FFFF;
	_ =	strace $0x9000004C  }
0xb3: {  	s29 =	simm.s32 $0x9;
	_ =	strace $0x8000004E  }
0xb4: {  	_ =	swait.ge [sflag:s29], $0x1  }
0xb5: {  	[sflag:s29] =	ssyncadd.s32 $0xFFFFFFFF  }
0xb6: {  	_ =	strace $0x9000004E  }
0xb7: {  	_ =	sfence  }
0xb8: {  	s30 =	sld [smem:$0x0];
	_ =	sdelay $0x2  }
0xb9: {  	s31 =	sshll.u32 s1, $0xD;
	s1 =	sshrl.u32 s1, $0x2  }
0xba: {  	s3 =	sand.u32 $0x4000, s31;
	s1 =	sadd.s32 s1, s30  }
0xbb: {  	s0 =	sor.u32 s3, s0;
	s1 =	sshll.u32 s1, $0x11  }
0xbc: {  	s0 =	sor.u32 s1, s0  }
0xbd: {  	s0 =	sadd.s32 $0x8F2B, s0  }
0xbe: {  	[sflag:s0] =	ssyncadd.remote.s32 $0x1  }
0xbf: {  	_ =	sfence.sel $0xFFFF  }
0xc0: {  	[dreg:$0x0] =	wrdreg $0xFFFFFFFF;
	(pc) =	sbr.abs _section_cstart, $3  }
0xc1: {  	[dreg:$0x1] =	wrdreg $0xFFFFFFFF  }
0xc2: {  	_ =	task.clear_ibuf [dreg:s7], $0x2FFFF;
	_ =	strace $0x9FFFFFFF  }
0xc3: {  	(tm) =	ssettm $0x7FFFFFFF  }
tec
execute0_lowered:
.L_overlay_start_1:
0x0: {  	(tag) =	ssettag $0x1  }
0x1: {  	s1 =	rddreg [dreg:$0x0]  }
0x2: {  	s5 =	rddreg [dreg:$0x1]  }
0x3: {  	s2 =	rddreg [dreg:$0x2]  }
0x4: {  	s3 =	srdreg.scid;
	s0 =	rddreg [dreg:$0x3];
	s4 =	simm.s32 $0x0  }
0x5: {  	s13 =	simm.s32 $0x7800;
	s14 =	simm.s32 $0x2;
	s15 =	simm.s32 $0x80  }
0x6: {  	s16 =	simm.s32 $0x1;
	s6 =	sand.u32 $0x1, s3;
	s3 =	stileid.u32  }
0x7: {  	[smem:$0x7FF] =	sst s4;
	s7 =	sshll.u32 s6, $0x4;
	s8 =	smul.u32 $0x140000, s6  }
0x8: {  	s9 =	smul.u32 $0x14000, s3;
	_ =	strace $0x8000004D;
	s6 =	ssub.s32 $0x2, s6  }
0x9: {  	s30 =	smul.u32 $0x50000, s3;
	s17 =	sshll.u32 s3, $0x6;
	s7 =	sor.u32 s3, s7  }
0xa: {  	s10 =	sshrl.u32 s6, $0x1;
	s7 =	smul.u32 $0x500, s7;
	s8 =	sadd.s32 s9, s8  }
0xb: {  	s17 =	sor.u32 $0x1C02, s17;
	s10 =	ssub.s32 s6, s10;
	s8 =	sshrl.u32 s8, $0x3  }
0xc: {  	s31 =	sshrl.u32 s30, $0x2;
	s7 =	sadd.s32 s7, s5;
	s8 =	sadd.s32 s8, s5  }
0xd: {  	s5 =	sadd.s32 s31, s2;
	s6 =	sadd.s32 $0x3000, s7;
	s7 =	sadd.s32 $0xD000, s8  }
0xe: {  	s8 =	smax.u32 s10, $0x1;
	s9 =	sadd.s32 $0x4000, s5;
	s10 =	sadd.s32 $0x8000, s5  }
0xf: {  	v0 =	vimm.f32 $0.0e+00;
	s11 =	sadd.s32 $0xC000, s5;
	s12 =	sadd.s32 $0x10000, s5;
	s18 =	sshrl.u32 s5, $0x3  }
.LBB2_1:
0x10: {  	s19 =	simm.s32 $0x0;
	s20 =	simm.s32 $0x200  }
.LBB2_2:
0x11: {  	p0 =	sne.s32 s20, $0xFE00;
	[tilespmem:s19+$0x7870] =	vst v0  }
0x12: {  	[tilespmem:s19+$0x7800] =	vst v0  }
0x13: {  	[tilespmem:s19+$0x7810] =	vst v0  }
.Ltmp0:
0x14: {  	[tilespmem:s19+$0x7820] =	vst v0;
	(pc) =	sbr.rel @p0 .LBB2_2-.Ltmp0, $4  }
0x15: {  	[tilespmem:s19+$0x7830] =	vst v0  }
0x16: {  	[tilespmem:s19+$0x7840] =	vst v0  }
0x17: {  	[tilespmem:s19+$0x7850] =	vst v0  }
0x18: {  	[tilespmem:s19+$0x7860] =	vst v0;
	s19 =	sshra.s32 s20, $0x2;
	s20 =	sadd.s32 $0x200, s20  }
0x19: {  	[tilespmem:s19+$0x7870] =	vst v0  }
0x1a: {  	[tilespmem:s19+$0x7800] =	vst v0  }
0x1b: {  	[tilespmem:s19+$0x7810] =	vst v0  }
0x1c: {  	[tilespmem:s19+$0x7820] =	vst v0  }
0x1d: {  	[tilespmem:s19+$0x7830] =	vst v0  }
0x1e: {  	[tilespmem:s19+$0x7840] =	vst v0  }
0x1f: {  	[tilespmem:s19+$0x7850] =	vst v0  }
0x20: {  	[tilespmem:s19+$0x7860] =	vst v0  }
0x21: {  	[spmem:s5] =	stream.linear.scatter [tilespmem:s13], [sflag:$0x2], $0x4000, $0x38;
	[tilespmem:$0x1F800] =	vst v63  }
0x22: {  	_ =	swait.ge [sflag:s14], $0x4000  }
0x23: {  	[sflag:s14] =	ssyncset.done $0x0  }
0x24: {  	[sflag:s14] =	ssyncadd.s32 $0xFFFFC000  }
0x25: {  	[spmem:s9] =	stream.linear.scatter [tilespmem:s13], [sflag:$0x2], $0x4000, $0x38;
	[tilespmem:$0x1F800] =	vst v63  }
0x26: {  	_ =	swait.ge [sflag:s14], $0x4000  }
0x27: {  	[sflag:s14] =	ssyncset.done $0x0  }
0x28: {  	[sflag:s14] =	ssyncadd.s32 $0xFFFFC000  }
0x29: {  	[spmem:s10] =	stream.linear.scatter [tilespmem:s13], [sflag:$0x2], $0x4000, $0x38;
	[tilespmem:$0x1F800] =	vst v63  }
0x2a: {  	_ =	swait.ge [sflag:s14], $0x4000  }
0x2b: {  	[sflag:s14] =	ssyncset.done $0x0  }
0x2c: {  	[sflag:s14] =	ssyncadd.s32 $0xFFFFC000  }
0x2d: {  	[spmem:s11] =	stream.linear.scatter [tilespmem:s13], [sflag:$0x2], $0x4000, $0x38;
	[tilespmem:$0x1F800] =	vst v63  }
0x2e: {  	_ =	swait.ge [sflag:s14], $0x4000  }
0x2f: {  	[sflag:s14] =	ssyncset.done $0x0  }
0x30: {  	[sflag:s14] =	ssyncadd.s32 $0xFFFFC000  }
0x31: {  	[spmem:s12] =	stream.linear.scatter [tilespmem:s13], [sflag:$0x2], $0x4000, $0x38;
	[tilespmem:$0x1F800] =	vst v63  }
0x32: {  	_ =	swait.ge [sflag:s14], $0x4000  }
0x33: {  	[sflag:s14] =	ssyncset.done $0x0  }
0x34: {  	[sflag:s14] =	ssyncadd.s32 $0xFFFFC000  }
0x35: {  	s31 =	simm.s32 $0x0;
	[bflag:$0x0] =	sbarrier.arrive $0xFFFF  }
0x36: {  	[tilespmem:s31], [sflag:$0x2] =	stream.linear.gather [hbm4b:s6+s31], $0x2800, $0x38;
	[tilespmem:$0x1F800] =	vst v63  }
0x37: {  	_ =	swait.ge [sflag:s14], $0x2800  }
0x38: {  	[sflag:s14] =	ssyncset.done $0x0  }
0x39: {  	s19 =	simm.s32 $0x0;
	[sflag:s14] =	ssyncadd.s32 $0xFFFFD800  }
0x3a: {  	v1 =	vld [tilespmem:s19+$0x70]  }
0x3b: {  	v2 =	vld [tilespmem:s19+$0x0];
	_ =	sdelay $0x1  }
0x3c: {  	v3 =	vld [tilespmem:s19+$0x10]  }
0x3d: {  	v6 =	vld [tilespmem:s19+$0x40]  }
0x3e: {  	v7 =	vshra.s32 v1, $0xE  }
0x3f: {  	v4 =	vld [tilespmem:s19+$0x20];
	v9 =	vand.u32 $0x3FFF, v2;
	[tilespmem:s19+$0x5070] =	vst v7  }
0x40: {  	v2 =	vshra.s32 v2, $0xE;
	[tilespmem:s19+$0x2800] =	vst v9  }
0x41: {  	v5 =	vld [tilespmem:s19+$0x30];
	v62 =	vand.u32 $0x3FFF, v3;
	[tilespmem:s19+$0x5000] =	vst v2  }
0x42: {  	v8 =	vld [tilespmem:s19+$0x50];
	v63 =	vand.u32 $0x3FFF, v6;
	[tilespmem:s19+$0x2810] =	vst v62  }
0x43: {  	v7 =	vld [tilespmem:s19+$0x60];
	v2 =	vshra.s32 v3, $0xE;
	[tilespmem:s19+$0x2840] =	vst v63  }
0x44: {  	v3 =	vand.u32 $0x3FFF, v4;
	[tilespmem:s19+$0x5010] =	vst v2  }
0x45: {  	v2 =	vshra.s32 v4, $0xE;
	[tilespmem:s19+$0x2820] =	vst v3  }
0x46: {  	v1 =	vand.u32 $0x3FFF, v1;
	v3 =	vand.u32 $0x3FFF, v5;
	[tilespmem:s19+$0x5020] =	vst v2  }
0x47: {  	v6 =	vshra.s32 v6, $0xE;
	v4 =	vshra.s32 v8, $0xE;
	v2 =	vshra.s32 v5, $0xE;
	[tilespmem:s19+$0x2830] =	vst v3  }
0x48: {  	s20 =	simm.s32 $0x80;
	s21 =	simm.s32 $0x400;
	v5 =	vand.u32 $0x3FFF, v8;
	[tilespmem:s19+$0x5030] =	vst v2;
	v3 =	vand.u32 $0x3FFF, v7;
	v2 =	vshra.s32 v7, $0xE  }
.LBB2_4:
0x49: {  	p0 =	sne.s32 s21, $0x9E00;
	v7 =	vld [tilespmem:s20+$0x70];
	[tilespmem:s19+$0x5040] =	vst v6  }
0x4a: {  	v6 =	vld [tilespmem:s20+$0x0];
	[tilespmem:s19+$0x2850] =	vst v5  }
0x4b: {  	v5 =	vld [tilespmem:s20+$0x10];
	[tilespmem:s19+$0x5050] =	vst v4  }
0x4c: {  	v4 =	vld [tilespmem:s20+$0x20];
	[tilespmem:s19+$0x2860] =	vst v3  }
0x4d: {  	v3 =	vld [tilespmem:s20+$0x30];
	[tilespmem:s19+$0x5060] =	vst v2  }
0x4e: {  	v2 =	vld [tilespmem:s20+$0x40];
	v8 =	vshra.s32 v7, $0xE;
	[tilespmem:s19+$0x2870] =	vst v1;
	v1 =	vand.u32 $0x3FFF, v7;
	s19 =	smov.u32 s20  }
0x4f: {  	v7 =	vand.u32 $0x3FFF, v6;
	v6 =	vshra.s32 v6, $0xE;
	v9 =	vld [tilespmem:s19+$0x50];
	[tilespmem:s19+$0x5070] =	vst v8  }
0x50: {  	[tilespmem:s19+$0x2800] =	vst v7;
	v7 =	vand.u32 $0x3FFF, v5;
	v5 =	vshra.s32 v5, $0xE;
	v8 =	vld [tilespmem:s19+$0x60]  }
0x51: {  	[tilespmem:s19+$0x5000] =	vst v6;
	v10 =	vand.u32 $0x3FFF, v4;
	v11 =	vshra.s32 v4, $0xE  }
0x52: {  	[tilespmem:s19+$0x2810] =	vst v7;
	v7 =	vand.u32 $0x3FFF, v3;
	v12 =	vshra.s32 v3, $0xE  }
0x53: {  	[tilespmem:s19+$0x5010] =	vst v5;
	v13 =	vand.u32 $0x3FFF, v2;
	v6 =	vshra.s32 v2, $0xE  }
.Ltmp1:
0x54: {  	[tilespmem:s19+$0x2820] =	vst v10;
	v5 =	vand.u32 $0x3FFF, v9;
	v4 =	vshra.s32 v9, $0xE;
	(pc) =	sbr.rel @p0 .LBB2_4-.Ltmp1, $4  }
0x55: {  	[tilespmem:s19+$0x5020] =	vst v11;
	v3 =	vand.u32 $0x3FFF, v8;
	v2 =	vshra.s32 v8, $0xE  }
0x56: {  	[tilespmem:s19+$0x2830] =	vst v7  }
0x57: {  	[tilespmem:s19+$0x5030] =	vst v12  }
0x58: {  	s20 =	sshra.s32 s21, $0x2;
	s21 =	sadd.s32 $0x200, s21;
	[tilespmem:s19+$0x2840] =	vst v13  }
0x59: {  	v7 =	vld [tilespmem:s20+$0x70];
	[tilespmem:s19+$0x5040] =	vst v6  }
0x5a: {  	v6 =	vld [tilespmem:s20+$0x0];
	[tilespmem:s19+$0x2850] =	vst v5  }
0x5b: {  	v5 =	vld [tilespmem:s20+$0x10];
	[tilespmem:s19+$0x5050] =	vst v4  }
0x5c: {  	v4 =	vld [tilespmem:s20+$0x20];
	[tilespmem:s19+$0x2860] =	vst v3  }
0x5d: {  	v3 =	vld [tilespmem:s20+$0x30];
	[tilespmem:s19+$0x5060] =	vst v2  }
0x5e: {  	v2 =	vld [tilespmem:s20+$0x40];
	[tilespmem:s19+$0x2870] =	vst v1;
	v1 =	vshra.s32 v7, $0xE  }
0x5f: {  	v9 =	vand.u32 $0x3FFF, v6;
	[tilespmem:s20+$0x5070] =	vst v1  }
0x60: {  	v1 =	vshra.s32 v6, $0xE;
	[tilespmem:s20+$0x2800] =	vst v9  }
0x61: {  	v61 =	vand.u32 $0x3FFF, v5;
	[tilespmem:s20+$0x5000] =	vst v1  }
0x62: {  	v1 =	vshra.s32 v5, $0xE;
	[tilespmem:s20+$0x2810] =	vst v61  }
0x63: {  	v62 =	vand.u32 $0x3FFF, v4;
	[tilespmem:s20+$0x5010] =	vst v1  }
0x64: {  	v8 =	vld [tilespmem:s20+$0x50];
	v1 =	vshra.s32 v4, $0xE;
	[tilespmem:s20+$0x2820] =	vst v62  }
0x65: {  	v63 =	vand.u32 $0x3FFF, v3;
	[tilespmem:s20+$0x5020] =	vst v1  }
0x66: {  	v60 =	vld [tilespmem:s20+$0x60];
	v1 =	vshra.s32 v3, $0xE;
	[tilespmem:s20+$0x2830] =	vst v63  }
0x67: {  	v3 =	vand.u32 $0x3FFF, v2;
	[tilespmem:s20+$0x5030] =	vst v1  }
0x68: {  	v1 =	vshra.s32 v2, $0xE;
	[tilespmem:s20+$0x2840] =	vst v3  }
0x69: {  	v2 =	vand.u32 $0x3FFF, v8;
	[tilespmem:s20+$0x5040] =	vst v1  }
0x6a: {  	v1 =	vshra.s32 v8, $0xE;
	[tilespmem:s20+$0x2850] =	vst v2  }
0x6b: {  	v2 =	vand.u32 $0x3FFF, v60;
	[tilespmem:s20+$0x5050] =	vst v1  }
0x6c: {  	v1 =	vshra.s32 v60, $0xE;
	[tilespmem:s20+$0x2860] =	vst v2  }
0x6d: {  	v2 =	vand.u32 $0x3FFF, v7;
	[tilespmem:s20+$0x5060] =	vst v1  }
0x6e: {  	s30 =	simm.s32 $0x2800;
	[tilespmem:s20+$0x2870] =	vst v2  }
0x6f: {  	[tilespmem:s13], [sflag:$0x1] =	stream.indirect.gather [hbm4b:s1+s15], $0x80, s30, s15, $0xb8;
	[tilespmem:$0x1F800] =	vst v63  }
0x70: {  	_ =	swait.ge [sflag:s16], $0x4000  }
0x71: {  	[sflag:s16] =	ssyncset.done $0x0  }
0x72: {  	s31 =	simm.s32 $0x5000;
	[sflag:s16] =	ssyncadd.s32 $0xFFFFC000  }
0x73: {  	[spmem:s2] =	stream.indirect.scatter.add.f32 [tilespmem:s13], [sflag:$0x2], $0x80, s31, s15, $0xb8;
	[tilespmem:$0x1F800] =	vst v63  }
0x74: {  	_ =	swait.ge [sflag:s14], $0x4000  }
0x75: {  	s19 =	simm.s32 $0x80;
	s20 =	simm.s32 $0x400;
	[sflag:s14] =	ssyncset.done $0x0  }
.LBB2_6:
0x76: {  	s21 =	sadd.s32 $0x2800, s19  }
0x77: {  	[sflag:s14] =	ssyncadd.s32 $0xFFFFC000;
	s22 =	smov.u32 s20;
	s23 =	sadd.s32 $0x200, s20  }
0x78: {  	[tilespmem:s13], [sflag:$0x1] =	stream.indirect.gather [hbm4b:s1+s15], $0x80, s21, s15, $0xb8;
	[tilespmem:$0x1F800] =	vst v63  }
0x79: {  	p0 =	sne.s32 s20, $0x9E00;
	_ =	swait.ge [sflag:s16], $0x4000  }
.Ltmp2:
0x7a: {  	[sflag:s16] =	ssyncset.done $0x0;
	(pc) =	sbr.rel @p0 .LBB2_6-.Ltmp2, $4  }
0x7b: {  	s19 =	sadd.s32 $0x5000, s19;
	[sflag:s16] =	ssyncadd.s32 $0xFFFFC000  }
0x7c: {  	[spmem:s2] =	stream.indirect.scatter.add.f32 [tilespmem:s13], [sflag:$0x2], $0x80, s19, s15, $0xb8;
	[tilespmem:$0x1F800] =	vst v63  }
0x7d: {  	_ =	swait.ge [sflag:s14], $0x4000  }
0x7e: {  	s20 =	smov.u32 s23;
	s19 =	sshra.s32 s22, $0x2;
	[sflag:s14] =	ssyncset.done $0x0  }
0x7f: {  	s20 =	sadd.s32 $0x2800, s19;
	[sflag:s14] =	ssyncadd.s32 $0xFFFFC000  }
0x80: {  	[tilespmem:s13], [sflag:$0x1] =	stream.indirect.gather [hbm4b:s1+s15], $0x80, s20, s15, $0xb8;
	[tilespmem:$0x1F800] =	vst v63  }
0x81: {  	_ =	swait.ge [sflag:s16], $0x4000  }
0x82: {  	[sflag:s16] =	ssyncset.done $0x0  }
0x83: {  	s31 =	sadd.s32 $0x5000, s19;
	[sflag:s16] =	ssyncadd.s32 $0xFFFFC000  }
0x84: {  	[spmem:s2] =	stream.indirect.scatter.add.f32 [tilespmem:s13], [sflag:$0x2], $0x80, s31, s15, $0xb8;
	[tilespmem:$0x1F800] =	vst v63  }
0x85: {  	_ =	swait.ge [sflag:s14], $0x4000  }
0x86: {  	s4 =	sadd.s32 $0x1, s4;
	[sflag:s14] =	ssyncset.done $0x0  }
0x87: {  	p0 =	sne.s32 s4, s8;
	[sflag:s14] =	ssyncadd.s32 $0xFFFFC000  }
.Ltmp3:
0x88: {  	[bflag:$0x0] =	sbarrier.arrive $0xFFFF;
	(pc) =	sbr.rel @p0 .LBB2_1-.Ltmp3, $4  }
0x89: {  	[hbm:s7], [sflag:s17] =	dma.local [spmem:s18], $0x2800  }
0x8a: {  	_ =	swait.ge [sflag:s14], $0x2800  }
0x8b: {  	[sflag:s14] =	ssyncset.done $0x0  }
0x8c: {  	[sflag:s14] =	ssyncadd.s32 $0xFFFFD800  }
0x8d: {  	_ =	sfence.sel $0x180000  }
0x8e: {  	[bflag:$0x0] =	sbarrier.arrive $0xFFFF  }
0x8f: {  	p0 =	sne.s32 s3, $0x0;
	_ =	strace $0x9000004D  }
0x90: {  	s0 =	sadd.s32 @!p0 $0x100000, s0;
	[bflag:$0x2] =	sbarrier.arrive $0xFFFF  }
0x91: {  	[sflag:s0] =	ssyncadd.tile.s32 @!p0 $0x1;
	_ =	shalt  }
.Lfunc_end2:
_tile_overlayer_lowered:
.L_overlay_start_2:
0x92: {  	(tag) =	ssettag $0x2  }
0x93: {  	s0 =	rddreg [dreg:$0x0];
	s2 =	stileid.u32  }
0x94: {  	s1 =	rddreg [dreg:$0x1];
	p0 =	sne.s32 s2, $0x0  }
0x95: {  	s3 =	rddreg [dreg:$0x2];
	[bflag:$0x3] =	sbarrier.arrive $0xFFFF;
	s2 =	simm.s32 @!p0 $0x1C02  }
0x96: {  	[timem:s3], [sflag:s2] =	dma.local @!p0 [hbm:s0], s1  }
0x97: {  	s0 =	simm.s32 @!p0 $0x2  }
0x98: {  	_ =	swait.ge @!p0 [sflag:s0], s1  }
0x99: {  	s1 =	ssub.s32 @!p0 $0x0, s1;
	[sflag:s0] =	ssyncset.done @!p0 $0x0  }
0x9a: {  	[sflag:s0] =	ssyncadd.s32 @!p0 s1  }
0x9b: {  	[bflag:$0x3] =	sbarrier.arrive $0xFFFF  }
0x9c: {  	_ =	shalt  }

// kernel: kernel.18.cloned.1.call-start
scs
__scs_entry_jumppad:
0x0: {  	(pc) =	sbr.rel $0x88, $3  }
0x1: {  	(tag) =	ssettag $0x0;
	lr =	simm.s32 $0x1  }
0x2: {  	[smem:$0x3F9A] =	sst lr;
	_ =	strace $0xD0000000  }
0x3: {  	_ = 	snop  }
0x4: {  	_ = 	snop  }
0x5: {  	_ = 	snop  }
0x6: {  	_ = 	snop  }
0x7: {  	_ = 	snop  }
__scs_overlays_trampoline_lowered:
0x8: {  	[smem:$0x3FA9] =	sst s0  }
0x9: {  	[smem:$0x3FAA] =	sst s1  }
0xa: {  	[smem:$0x3FAB] =	sst s2  }
0xb: {  	[smem:$0x3FAC] =	sst s3  }
0xc: {  	[smem:$0x3FAD] =	sst s4  }
0xd: {  	[smem:$0x3FAE] =	sst s5  }
0xe: {  	[smem:$0x3FAF] =	sst s6  }
0xf: {  	[smem:$0x3FB0] =	sst s7  }
0x10: {  	[smem:$0x3FB1] =	sst s8  }
0x11: {  	[smem:$0x3FB2] =	sst s9;
	s0 =	simm.s32 @!p0 $0x0  }
0x12: {  	s1 =	sld [smem:$0x3F98];
	s0 =	simm.s32 @p0 $0x1  }
0x13: {  	[smem:$0x3FB3] =	sst s0;
	s0 =	simm.s32 @!p1 $0x0  }
0x14: {  	s2 =	sld [smem:$0x3F97];
	s0 =	simm.s32 @p1 $0x1  }
0x15: {  	[smem:$0x3FB4] =	sst s0;
	s0 =	simm.s32 @!p2 $0x0  }
0x16: {  	s3 =	sld [smem:$0x3FDB];
	s0 =	simm.s32 @p2 $0x1  }
0x17: {  	s4 =	simm.s32 $0x1BF5;
	[smem:$0x3FB6] =	sst s0  }
0x18: {  	s0 =	sld [smem:$0x3F99];
	_ =	swait.ge [sflag:s4], $0x0  }
0x19: {  	s7 =	sld [smem:$0x3F9A]  }
0x1a: {  	s8 =	sadd.s32 $0xFFFFE003, lr  }
0x1b: {  	s9 =	sadd.s32 $0xFFFFFEF7, lr;
	s5 =	simm.s32 $0xFFFFFFFF;
	p2 =	slt.u32 s8, $0xFFFFF086  }
0x1c: {  	p1 =	slt.u32 s9, $0xF7A;
	s5 =	simm.s32 @!p2 $0x0  }
0x1d: {  	s5 =	simm.s32 @p1 $0x1;
	p0 =	seq.s32 s7, s2  }
0x1e: {  	s7 =	smul.u32 @!p0 $0xF7A, s2;
	p2 =	seq.s32 @!p0 s5, $0x0  }
0x1f: {  	s9 =	smul.u32 $0xF7A, s1;
	s8 =	simm.s32 @!p0 $0x1BF5;
	p2 =	por !p2, p0  }
0x20: {  	[sflag:s8] =	ssyncset.s32 @!p0 $0xFFFFF086;
	s6 =	sadd.s32 @!p0 s3, s7;
	s7 =	simm.s32 @!p0 $0x108  }
0x21: {  	s3 =	sadd.s32 s3, s9;
	s6 =	sadd.s32 @!p0 $0x88, s6;
	s7 =	simm.s32 @p2 $0x1082  }
0x22: {  	[simem:s7], [sflag:s8] =	dma.local @!p0 [hbm:s6], $0xF7A  }
0x23: {  	s9 =	sor.u32 $0xD0000000, s2;
	s6 =	simm.s32 $0x108;
	_ =	swait.ge @!p0 [sflag:s8], $0x0  }
0x24: {  	s3 =	sadd.s32 $0x88, s3;
	s6 =	simm.s32 @!p1 $0x1082;
	[sflag:s4] =	ssyncset.s32 $0xFFFFF086  }
0x25: {  	[simem:s6], [sflag:s4] =	dma.local [hbm:s3], $0xF7A  }
0x26: {  	[smem:$0x3F9A] =	sst s1;
	(tag) =	ssettag s2;
	_ =	strace s9  }
0x27: {  	s1 =	sld [smem:$0x3FAA]  }
0x28: {  	s2 =	sld [smem:$0x3FAB]  }
0x29: {  	s4 =	sld [smem:$0x3FAD]  }
0x2a: {  	p0 =	seq.s32 s5, $0x0;
	s5 =	sld [smem:$0x3FAE]  }
0x2b: {  	s6 =	sld [smem:$0x3FAF]  }
0x2c: {  	s7 =	sld [smem:$0x3FB0]  }
0x2d: {  	s3 =	simm.s32 $0x108;
	s8 =	sld [smem:$0x3FB1]  }
0x2e: {  	s3 =	simm.s32 @!p0 $0x1082;
	s9 =	sld [smem:$0x3FB2]  }
0x2f: {  	lr =	sadd.s32 s0, s3;
	s0 =	sld [smem:$0x3FA9]  }
0x30: {  	s3 =	sld [smem:$0x3FAC]  }
0x31: {  	[smem:$0x3FB5] =	sst s10  }
0x32: {  	s10 =	sld [smem:$0x3FB3];
	_ =	sdelay $0x3  }
0x33: {  	p0 =	seq.s32 s10, $0x1;
	s10 =	sld [smem:$0x3FB5];
	_ =	sdelay $0x3  }
0x34: {  	[smem:$0x3FB5] =	sst s10  }
0x35: {  	s10 =	sld [smem:$0x3FB4];
	_ =	sdelay $0x3  }
0x36: {  	p1 =	seq.s32 s10, $0x1;
	s10 =	sld [smem:$0x3FB5];
	_ =	sdelay $0x3  }
0x37: {  	[smem:$0x3FB5] =	sst s10  }
0x38: {  	s10 =	sld [smem:$0x3FB6]  }
0x39: {  	_ = 	snop;
	(pc) =	sbr.ind lr, $3  }
0x3a: {  	_ = 	snop  }
0x3b: {  	_ = 	snop  }
0x3c: {  	p2 =	seq.s32 s10, $0x1;
	s10 =	sld [smem:$0x3FB5]  }
0x3d: {  	_ =	shalt  }
0x3e: {  	_ =	shalt  }
0x3f: {  	_ =	shalt  }
0x40: {  	_ =	shalt  }
0x41: {  	_ =	shalt  }
0x42: {  	_ =	shalt  }
0x43: {  	_ =	shalt  }
0x44: {  	_ =	shalt  }
0x45: {  	_ =	shalt  }
0x46: {  	_ =	shalt  }
0x47: {  	_ =	shalt  }
0x48: {  	_ =	shalt  }
0x49: {  	_ =	shalt  }
0x4a: {  	_ =	shalt  }
0x4b: {  	_ =	shalt  }
0x4c: {  	_ =	shalt  }
0x4d: {  	_ =	shalt  }
0x4e: {  	_ =	shalt  }
0x4f: {  	_ =	shalt  }
0x50: {  	_ =	shalt  }
0x51: {  	_ =	shalt  }
0x52: {  	_ =	shalt  }
0x53: {  	_ =	shalt  }
0x54: {  	_ =	shalt  }
0x55: {  	_ =	shalt  }
0x56: {  	_ =	shalt  }
0x57: {  	_ =	shalt  }
0x58: {  	_ =	shalt  }
0x59: {  	_ =	shalt  }
0x5a: {  	_ =	shalt  }
0x5b: {  	_ =	shalt  }
0x5c: {  	_ =	shalt  }
0x5d: {  	_ =	shalt  }
0x5e: {  	_ =	shalt  }
0x5f: {  	_ =	shalt  }
0x60: {  	_ =	shalt  }
0x61: {  	_ =	shalt  }
0x62: {  	_ =	shalt  }
0x63: {  	_ =	shalt  }
0x64: {  	_ =	shalt  }
0x65: {  	_ =	shalt  }
0x66: {  	_ =	shalt  }
0x67: {  	_ =	shalt  }
0x68: {  	_ =	shalt  }
0x69: {  	_ =	shalt  }
0x6a: {  	_ =	shalt  }
0x6b: {  	_ =	shalt  }
0x6c: {  	_ =	shalt  }
0x6d: {  	_ =	shalt  }
0x6e: {  	_ =	shalt  }
0x6f: {  	_ =	shalt  }
0x70: {  	_ =	shalt  }
0x71: {  	_ =	shalt  }
0x72: {  	_ =	shalt  }
0x73: {  	_ =	shalt  }
0x74: {  	_ =	shalt  }
0x75: {  	_ =	shalt  }
0x76: {  	_ =	shalt  }
0x77: {  	_ =	shalt  }
0x78: {  	_ =	shalt  }
0x79: {  	_ =	shalt  }
0x7a: {  	_ =	shalt  }
0x7b: {  	_ =	shalt  }
0x7c: {  	_ =	shalt  }
0x7d: {  	_ =	shalt  }
0x7e: {  	_ =	shalt  }
0x7f: {  	_ =	shalt  }
0x80: {  	_ =	shalt  }
0x81: {  	_ =	shalt  }
0x82: {  	_ =	shalt  }
0x83: {  	_ =	shalt  }
0x84: {  	_ =	shalt  }
0x85: {  	_ =	shalt  }
0x86: {  	_ =	shalt  }
0x87: {  	_ =	shalt  }
.Lfunc_end0:
.L_simem_size_0:
called_computation.3_lowered:
.L_overlay_start_0:
0x88: {  	s2 =	sld [smem:$0x3FD9]  }
0x89: {  	s3 =	sld [smem:$0x3FFE];
	_ =	sdelay $0x1  }
0x8a: {  	s1 =	srdreg.scid  }
0x8b: {  	s0 =	sand.u32 $0x1, s1  }
0x8c: {  	s17 =	sshll.u32 s0, $0xA;
	s2 =	sadd.s32 s3, s2  }
0x8d: {  	s2 =	sadd.s32 s2, s17  }
0x8e: {  	[smem:$0x3FC1] =	sst s2  }
0x8f: {  	_ = 	snop  }
0x90: {  	s2 =	sld [smem:$0x3FD0];
	(tm) =	ssettm $0x1  }
0x91: {  	s18 =	sld [smem:$0x3FFB];
	_ =	sdelay $0x3  }
0x92: {  	_ =	strace s18  }
0x93: {  	s3 =	sld [smem:$0x3FFC];
	_ =	sdelay $0x3  }
0x94: {  	_ =	strace s3  }
0x95: {  	s3 =	sld [smem:$0x3FFD];
	_ =	sdelay $0x3  }
0x96: {  	_ =	strace s3  }
0x97: {  	_ =	strace $0x8FFFFFFF  }
0x98: {  	s19 =	sld [smem:$0x3FDB];
	_ =	sdelay $0x1  }
0x99: {  	s4 =	simm.s32 $_scs_section_size  }
0x9a: {  	s5 =	simm.s32 $_size__tile_overlayer_lowered;
	s6 =	simm.s32 $_tile_overlayer_lowered  }
0x9b: {  	s22 =	simm.s32 $0x1BFF;
	s21 =	sshll.u32 s6, $0x1;
	s3 =	sadd.s32 s4, s19  }
0x9c: {  	s7 =	simm.s32 $0x0;
	s20 =	sshll.u32 s5, $0x1;
	s5 =	sadd.s32 s21, s3  }
0x9d: {  	[timem:s7], [sflag:s22] =	dma.local [hbm:s5], s20  }
0x9e: {  	_ =	swait.ge [sflag:s22], s20  }
0x9f: {  	s4 =	ssub.s32 $0x0, s20;
	[sflag:s22] =	ssyncset.done $0x0  }
0xa0: {  	[sflag:s22] =	ssyncadd.s32 s4;
	_ =	sdelay $0x1  }
0xa1: {  	s23 =	simm.s32 $0x1B8B  }
0xa2: {  	_ =	swait.ge [sflag:s23], $0x1  }
0xa3: {  	[sflag:s23] =	ssyncset.done $0x0  }
0xa4: {  	s25 =	simm.s32 $0x1B8E;
	s24 =	sld [smem:$0x3FFE];
	[sflag:s23] =	ssyncadd.s32 $0xFFFFFFFF  }
0xa5: {  	s26 =	simm.s32 $execute0_lowered;
	[smem:$0x3FD2] =	sst s25  }
0xa6: {  	s5 =	sshll.u32 s26, $0x1;
	_ =	strace $0x8000004F;
	[dreg:$0x1] =	wrdreg $0xFFFFFFFF  }
0xa7: {  	s28 =	simm.s32 $_size_execute0_lowered;
	s3 =	sadd.s32 s3, s5;
	[dreg:$0x0] =	wrdreg $0x0  }
0xa8: {  	s5 =	sshll.u32 s28, $0x1;
	[dreg:$0x2] =	wrdreg s3  }
0xa9: {  	[dreg:$0x3] =	wrdreg s5  }
0xaa: {  	[dreg:$0x4] =	wrdreg $0xC0  }
0xab: {  	_ =	task [dreg:s7], $0x5FFFF  }
0xac: {  	[dreg:$0x1] =	wrdreg $0xFFFFFFFF  }
0xad: {  	[dreg:$0x0] =	wrdreg $0x60  }
0xae: {  	[dreg:$0x2] =	wrdreg s2  }
0xaf: {  	[dreg:$0x3] =	wrdreg s24  }
0xb0: {  	[dreg:$0x4] =	wrdreg $0xB8000  }
0xb1: {  	[dreg:$0x5] =	wrdreg $0x9  }
0xb2: {  	_ =	task.clear_ibuf [dreg:s7], $0x6FFFF;
	_ =	strace $0x9000004F  }
0xb3: {  	s29 =	simm.s32 $0x9;
	_ =	strace $0x80000051  }
0xb4: {  	_ =	swait.ge [sflag:s29], $0x1  }
0xb5: {  	[sflag:s29] =	ssyncadd.s32 $0xFFFFFFFF  }
0xb6: {  	_ =	strace $0x90000051  }
0xb7: {  	_ =	sfence  }
0xb8: {  	s30 =	sld [smem:$0x0];
	_ =	sdelay $0x2  }
0xb9: {  	s31 =	sshll.u32 s1, $0xD;
	s1 =	sshrl.u32 s1, $0x2  }
0xba: {  	s3 =	sand.u32 $0x4000, s31;
	s1 =	sadd.s32 s1, s30  }
0xbb: {  	s0 =	sor.u32 s3, s0;
	s1 =	sshll.u32 s1, $0x11  }
0xbc: {  	s0 =	sor.u32 s1, s0  }
0xbd: {  	s0 =	sadd.s32 $0x8F2B, s0  }
0xbe: {  	[sflag:s0] =	ssyncadd.remote.s32 $0x1  }
0xbf: {  	_ =	sfence.sel $0xFFFF  }
0xc0: {  	[dreg:$0x0] =	wrdreg $0xFFFFFFFF;
	(pc) =	sbr.abs _section_cstart, $3  }
0xc1: {  	[dreg:$0x1] =	wrdreg $0xFFFFFFFF  }
0xc2: {  	_ =	task.clear_ibuf [dreg:s7], $0x2FFFF;
	_ =	strace $0x9FFFFFFF  }
0xc3: {  	(tm) =	ssettm $0x7FFFFFFF  }
tec
execute0_lowered:
.L_overlay_start_1:
0x0: {  	(tag) =	ssettag $0x1  }
0x1: {  	s1 =	rddreg [dreg:$0x0]  }
0x2: {  	s5 =	rddreg [dreg:$0x1]  }
0x3: {  	s2 =	rddreg [dreg:$0x2]  }
0x4: {  	s3 =	srdreg.scid;
	s0 =	rddreg [dreg:$0x3];
	s4 =	simm.s32 $0x0  }
0x5: {  	s13 =	simm.s32 $0x7800;
	s14 =	simm.s32 $0x2;
	s15 =	simm.s32 $0x80  }
0x6: {  	s16 =	simm.s32 $0x1;
	s6 =	sand.u32 $0x1, s3;
	s3 =	stileid.u32  }
0x7: {  	[smem:$0x7FF] =	sst s4;
	s7 =	sshll.u32 s6, $0x4;
	s8 =	smul.u32 $0x140000, s6  }
0x8: {  	s9 =	smul.u32 $0x14000, s3;
	_ =	strace $0x80000050;
	s6 =	ssub.s32 $0x2, s6  }
0x9: {  	s30 =	smul.u32 $0x50000, s3;
	s17 =	sshll.u32 s3, $0x6;
	s7 =	sor.u32 s3, s7  }
0xa: {  	s10 =	sshrl.u32 s6, $0x1;
	s7 =	smul.u32 $0x500, s7;
	s8 =	sadd.s32 s9, s8  }
0xb: {  	s17 =	sor.u32 $0x1C02, s17;
	s10 =	ssub.s32 s6, s10;
	s8 =	sshrl.u32 s8, $0x3  }
0xc: {  	s31 =	sshrl.u32 s30, $0x2;
	s7 =	sadd.s32 s7, s5;
	s8 =	sadd.s32 s8, s5  }
0xd: {  	s5 =	sadd.s32 s31, s2;
	s6 =	sadd.s32 $0x3000, s7;
	s7 =	sadd.s32 $0xD000, s8  }
0xe: {  	s8 =	smax.u32 s10, $0x1;
	s9 =	sadd.s32 $0x4000, s5;
	s10 =	sadd.s32 $0x8000, s5  }
0xf: {  	v0 =	vimm.f32 $0.0e+00;
	s11 =	sadd.s32 $0xC000, s5;
	s12 =	sadd.s32 $0x10000, s5;
	s18 =	sshrl.u32 s5, $0x3  }
.LBB2_1:
0x10: {  	s19 =	simm.s32 $0x0;
	s20 =	simm.s32 $0x200  }
.LBB2_2:
0x11: {  	p0 =	sne.s32 s20, $0xFE00;
	[tilespmem:s19+$0x7870] =	vst v0  }
0x12: {  	[tilespmem:s19+$0x7800] =	vst v0  }
0x13: {  	[tilespmem:s19+$0x7810] =	vst v0  }
.Ltmp0:
0x14: {  	[tilespmem:s19+$0x7820] =	vst v0;
	(pc) =	sbr.rel @p0 .LBB2_2-.Ltmp0, $4  }
0x15: {  	[tilespmem:s19+$0x7830] =	vst v0  }
0x16: {  	[tilespmem:s19+$0x7840] =	vst v0  }
0x17: {  	[tilespmem:s19+$0x7850] =	vst v0  }
0x18: {  	[tilespmem:s19+$0x7860] =	vst v0;
	s19 =	sshra.s32 s20, $0x2;
	s20 =	sadd.s32 $0x200, s20  }
0x19: {  	[tilespmem:s19+$0x7870] =	vst v0  }
0x1a: {  	[tilespmem:s19+$0x7800] =	vst v0  }
0x1b: {  	[tilespmem:s19+$0x7810] =	vst v0  }
0x1c: {  	[tilespmem:s19+$0x7820] =	vst v0  }
0x1d: {  	[tilespmem:s19+$0x7830] =	vst v0  }
0x1e: {  	[tilespmem:s19+$0x7840] =	vst v0  }
0x1f: {  	[tilespmem:s19+$0x7850] =	vst v0  }
0x20: {  	[tilespmem:s19+$0x7860] =	vst v0  }
0x21: {  	[spmem:s5] =	stream.linear.scatter [tilespmem:s13], [sflag:$0x2], $0x4000, $0x38;
	[tilespmem:$0x1F800] =	vst v63  }
0x22: {  	_ =	swait.ge [sflag:s14], $0x4000  }
0x23: {  	[sflag:s14] =	ssyncset.done $0x0  }
0x24: {  	[sflag:s14] =	ssyncadd.s32 $0xFFFFC000  }
0x25: {  	[spmem:s9] =	stream.linear.scatter [tilespmem:s13], [sflag:$0x2], $0x4000, $0x38;
	[tilespmem:$0x1F800] =	vst v63  }
0x26: {  	_ =	swait.ge [sflag:s14], $0x4000  }
0x27: {  	[sflag:s14] =	ssyncset.done $0x0  }
0x28: {  	[sflag:s14] =	ssyncadd.s32 $0xFFFFC000  }
0x29: {  	[spmem:s10] =	stream.linear.scatter [tilespmem:s13], [sflag:$0x2], $0x4000, $0x38;
	[tilespmem:$0x1F800] =	vst v63  }
0x2a: {  	_ =	swait.ge [sflag:s14], $0x4000  }
0x2b: {  	[sflag:s14] =	ssyncset.done $0x0  }
0x2c: {  	[sflag:s14] =	ssyncadd.s32 $0xFFFFC000  }
0x2d: {  	[spmem:s11] =	stream.linear.scatter [tilespmem:s13], [sflag:$0x2], $0x4000, $0x38;
	[tilespmem:$0x1F800] =	vst v63  }
0x2e: {  	_ =	swait.ge [sflag:s14], $0x4000  }
0x2f: {  	[sflag:s14] =	ssyncset.done $0x0  }
0x30: {  	[sflag:s14] =	ssyncadd.s32 $0xFFFFC000  }
0x31: {  	[spmem:s12] =	stream.linear.scatter [tilespmem:s13], [sflag:$0x2], $0x4000, $0x38;
	[tilespmem:$0x1F800] =	vst v63  }
0x32: {  	_ =	swait.ge [sflag:s14], $0x4000  }
0x33: {  	[sflag:s14] =	ssyncset.done $0x0  }
0x34: {  	[sflag:s14] =	ssyncadd.s32 $0xFFFFC000  }
0x35: {  	s31 =	simm.s32 $0x0;
	[bflag:$0x0] =	sbarrier.arrive $0xFFFF  }
0x36: {  	[tilespmem:s31], [sflag:$0x2] =	stream.linear.gather [hbm4b:s6+s31], $0x2800, $0x38;
	[tilespmem:$0x1F800] =	vst v63  }
0x37: {  	_ =	swait.ge [sflag:s14], $0x2800  }
0x38: {  	[sflag:s14] =	ssyncset.done $0x0  }
0x39: {  	s19 =	simm.s32 $0x0;
	[sflag:s14] =	ssyncadd.s32 $0xFFFFD800  }
0x3a: {  	v1 =	vld [tilespmem:s19+$0x70]  }
0x3b: {  	v2 =	vld [tilespmem:s19+$0x0];
	_ =	sdelay $0x1  }
0x3c: {  	v3 =	vld [tilespmem:s19+$0x10]  }
0x3d: {  	v6 =	vld [tilespmem:s19+$0x40]  }
0x3e: {  	v7 =	vshra.s32 v1, $0xE  }
0x3f: {  	v4 =	vld [tilespmem:s19+$0x20];
	v9 =	vand.u32 $0x3FFF, v2;
	[tilespmem:s19+$0x5070] =	vst v7  }
0x40: {  	v2 =	vshra.s32 v2, $0xE;
	[tilespmem:s19+$0x2800] =	vst v9  }
0x41: {  	v5 =	vld [tilespmem:s19+$0x30];
	v62 =	vand.u32 $0x3FFF, v3;
	[tilespmem:s19+$0x5000] =	vst v2  }
0x42: {  	v8 =	vld [tilespmem:s19+$0x50];
	v63 =	vand.u32 $0x3FFF, v6;
	[tilespmem:s19+$0x2810] =	vst v62  }
0x43: {  	v7 =	vld [tilespmem:s19+$0x60];
	v2 =	vshra.s32 v3, $0xE;
	[tilespmem:s19+$0x2840] =	vst v63  }
0x44: {  	v3 =	vand.u32 $0x3FFF, v4;
	[tilespmem:s19+$0x5010] =	vst v2  }
0x45: {  	v2 =	vshra.s32 v4, $0xE;
	[tilespmem:s19+$0x2820] =	vst v3  }
0x46: {  	v1 =	vand.u32 $0x3FFF, v1;
	v3 =	vand.u32 $0x3FFF, v5;
	[tilespmem:s19+$0x5020] =	vst v2  }
0x47: {  	v6 =	vshra.s32 v6, $0xE;
	v4 =	vshra.s32 v8, $0xE;
	v2 =	vshra.s32 v5, $0xE;
	[tilespmem:s19+$0x2830] =	vst v3  }
0x48: {  	s20 =	simm.s32 $0x80;
	s21 =	simm.s32 $0x400;
	v5 =	vand.u32 $0x3FFF, v8;
	[tilespmem:s19+$0x5030] =	vst v2;
	v3 =	vand.u32 $0x3FFF, v7;
	v2 =	vshra.s32 v7, $0xE  }
.LBB2_4:
0x49: {  	p0 =	sne.s32 s21, $0x9E00;
	v7 =	vld [tilespmem:s20+$0x70];
	[tilespmem:s19+$0x5040] =	vst v6  }
0x4a: {  	v6 =	vld [tilespmem:s20+$0x0];
	[tilespmem:s19+$0x2850] =	vst v5  }
0x4b: {  	v5 =	vld [tilespmem:s20+$0x10];
	[tilespmem:s19+$0x5050] =	vst v4  }
0x4c: {  	v4 =	vld [tilespmem:s20+$0x20];
	[tilespmem:s19+$0x2860] =	vst v3  }
0x4d: {  	v3 =	vld [tilespmem:s20+$0x30];
	[tilespmem:s19+$0x5060] =	vst v2  }
0x4e: {  	v2 =	vld [tilespmem:s20+$0x40];
	v8 =	vshra.s32 v7, $0xE;
	[tilespmem:s19+$0x2870] =	vst v1;
	v1 =	vand.u32 $0x3FFF, v7;
	s19 =	smov.u32 s20  }
0x4f: {  	v7 =	vand.u32 $0x3FFF, v6;
	v6 =	vshra.s32 v6, $0xE;
	v9 =	vld [tilespmem:s19+$0x50];
	[tilespmem:s19+$0x5070] =	vst v8  }
0x50: {  	[tilespmem:s19+$0x2800] =	vst v7;
	v7 =	vand.u32 $0x3FFF, v5;
	v5 =	vshra.s32 v5, $0xE;
	v8 =	vld [tilespmem:s19+$0x60]  }
0x51: {  	[tilespmem:s19+$0x5000] =	vst v6;
	v10 =	vand.u32 $0x3FFF, v4;
	v11 =	vshra.s32 v4, $0xE  }
0x52: {  	[tilespmem:s19+$0x2810] =	vst v7;
	v7 =	vand.u32 $0x3FFF, v3;
	v12 =	vshra.s32 v3, $0xE  }
0x53: {  	[tilespmem:s19+$0x5010] =	vst v5;
	v13 =	vand.u32 $0x3FFF, v2;
	v6 =	vshra.s32 v2, $0xE  }
.Ltmp1:
0x54: {  	[tilespmem:s19+$0x2820] =	vst v10;
	v5 =	vand.u32 $0x3FFF, v9;
	v4 =	vshra.s32 v9, $0xE;
	(pc) =	sbr.rel @p0 .LBB2_4-.Ltmp1, $4  }
0x55: {  	[tilespmem:s19+$0x5020] =	vst v11;
	v3 =	vand.u32 $0x3FFF, v8;
	v2 =	vshra.s32 v8, $0xE  }
0x56: {  	[tilespmem:s19+$0x2830] =	vst v7  }
0x57: {  	[tilespmem:s19+$0x5030] =	vst v12  }
0x58: {  	s20 =	sshra.s32 s21, $0x2;
	s21 =	sadd.s32 $0x200, s21;
	[tilespmem:s19+$0x2840] =	vst v13  }
0x59: {  	v7 =	vld [tilespmem:s20+$0x70];
	[tilespmem:s19+$0x5040] =	vst v6  }
0x5a: {  	v6 =	vld [tilespmem:s20+$0x0];
	[tilespmem:s19+$0x2850] =	vst v5  }
0x5b: {  	v5 =	vld [tilespmem:s20+$0x10];
	[tilespmem:s19+$0x5050] =	vst v4  }
0x5c: {  	v4 =	vld [tilespmem:s20+$0x20];
	[tilespmem:s19+$0x2860] =	vst v3  }
0x5d: {  	v3 =	vld [tilespmem:s20+$0x30];
	[tilespmem:s19+$0x5060] =	vst v2  }
0x5e: {  	v2 =	vld [tilespmem:s20+$0x40];
	[tilespmem:s19+$0x2870] =	vst v1;
	v1 =	vshra.s32 v7, $0xE  }
0x5f: {  	v9 =	vand.u32 $0x3FFF, v6;
	[tilespmem:s20+$0x5070] =	vst v1  }
0x60: {  	v1 =	vshra.s32 v6, $0xE;
	[tilespmem:s20+$0x2800] =	vst v9  }
0x61: {  	v61 =	vand.u32 $0x3FFF, v5;
	[tilespmem:s20+$0x5000] =	vst v1  }
0x62: {  	v1 =	vshra.s32 v5, $0xE;
	[tilespmem:s20+$0x2810] =	vst v61  }
0x63: {  	v62 =	vand.u32 $0x3FFF, v4;
	[tilespmem:s20+$0x5010] =	vst v1  }
0x64: {  	v8 =	vld [tilespmem:s20+$0x50];
	v1 =	vshra.s32 v4, $0xE;
	[tilespmem:s20+$0x2820] =	vst v62  }
0x65: {  	v63 =	vand.u32 $0x3FFF, v3;
	[tilespmem:s20+$0x5020] =	vst v1  }
0x66: {  	v60 =	vld [tilespmem:s20+$0x60];
	v1 =	vshra.s32 v3, $0xE;
	[tilespmem:s20+$0x2830] =	vst v63  }
0x67: {  	v3 =	vand.u32 $0x3FFF, v2;
	[tilespmem:s20+$0x5030] =	vst v1  }
0x68: {  	v1 =	vshra.s32 v2, $0xE;
	[tilespmem:s20+$0x2840] =	vst v3  }
0x69: {  	v2 =	vand.u32 $0x3FFF, v8;
	[tilespmem:s20+$0x5040] =	vst v1  }
0x6a: {  	v1 =	vshra.s32 v8, $0xE;
	[tilespmem:s20+$0x2850] =	vst v2  }
0x6b: {  	v2 =	vand.u32 $0x3FFF, v60;
	[tilespmem:s20+$0x5050] =	vst v1  }
0x6c: {  	v1 =	vshra.s32 v60, $0xE;
	[tilespmem:s20+$0x2860] =	vst v2  }
0x6d: {  	v2 =	vand.u32 $0x3FFF, v7;
	[tilespmem:s20+$0x5060] =	vst v1  }
0x6e: {  	s30 =	simm.s32 $0x2800;
	[tilespmem:s20+$0x2870] =	vst v2  }
0x6f: {  	[tilespmem:s13], [sflag:$0x1] =	stream.indirect.gather [hbm4b:s1+s15], $0x80, s30, s15, $0xb8;
	[tilespmem:$0x1F800] =	vst v63  }
0x70: {  	_ =	swait.ge [sflag:s16], $0x4000  }
0x71: {  	[sflag:s16] =	ssyncset.done $0x0  }
0x72: {  	s31 =	simm.s32 $0x5000;
	[sflag:s16] =	ssyncadd.s32 $0xFFFFC000  }
0x73: {  	[spmem:s2] =	stream.indirect.scatter.add.f32 [tilespmem:s13], [sflag:$0x2], $0x80, s31, s15, $0xb8;
	[tilespmem:$0x1F800] =	vst v63  }
0x74: {  	_ =	swait.ge [sflag:s14], $0x4000  }
0x75: {  	s19 =	simm.s32 $0x80;
	s20 =	simm.s32 $0x400;
	[sflag:s14] =	ssyncset.done $0x0  }
.LBB2_6:
0x76: {  	s21 =	sadd.s32 $0x2800, s19  }
0x77: {  	[sflag:s14] =	ssyncadd.s32 $0xFFFFC000;
	s22 =	smov.u32 s20;
	s23 =	sadd.s32 $0x200, s20  }
0x78: {  	[tilespmem:s13], [sflag:$0x1] =	stream.indirect.gather [hbm4b:s1+s15], $0x80, s21, s15, $0xb8;
	[tilespmem:$0x1F800] =	vst v63  }
0x79: {  	p0 =	sne.s32 s20, $0x9E00;
	_ =	swait.ge [sflag:s16], $0x4000  }
.Ltmp2:
0x7a: {  	[sflag:s16] =	ssyncset.done $0x0;
	(pc) =	sbr.rel @p0 .LBB2_6-.Ltmp2, $4  }
0x7b: {  	s19 =	sadd.s32 $0x5000, s19;
	[sflag:s16] =	ssyncadd.s32 $0xFFFFC000  }
0x7c: {  	[spmem:s2] =	stream.indirect.scatter.add.f32 [tilespmem:s13], [sflag:$0x2], $0x80, s19, s15, $0xb8;
	[tilespmem:$0x1F800] =	vst v63  }
0x7d: {  	_ =	swait.ge [sflag:s14], $0x4000  }
0x7e: {  	s20 =	smov.u32 s23;
	s19 =	sshra.s32 s22, $0x2;
	[sflag:s14] =	ssyncset.done $0x0  }
0x7f: {  	s20 =	sadd.s32 $0x2800, s19;
	[sflag:s14] =	ssyncadd.s32 $0xFFFFC000  }
0x80: {  	[tilespmem:s13], [sflag:$0x1] =	stream.indirect.gather [hbm4b:s1+s15], $0x80, s20, s15, $0xb8;
	[tilespmem:$0x1F800] =	vst v63  }
0x81: {  	_ =	swait.ge [sflag:s16], $0x4000  }
0x82: {  	[sflag:s16] =	ssyncset.done $0x0  }
0x83: {  	s31 =	sadd.s32 $0x5000, s19;
	[sflag:s16] =	ssyncadd.s32 $0xFFFFC000  }
0x84: {  	[spmem:s2] =	stream.indirect.scatter.add.f32 [tilespmem:s13], [sflag:$0x2], $0x80, s31, s15, $0xb8;
	[tilespmem:$0x1F800] =	vst v63  }
0x85: {  	_ =	swait.ge [sflag:s14], $0x4000  }
0x86: {  	s4 =	sadd.s32 $0x1, s4;
	[sflag:s14] =	ssyncset.done $0x0  }
0x87: {  	p0 =	sne.s32 s4, s8;
	[sflag:s14] =	ssyncadd.s32 $0xFFFFC000  }
.Ltmp3:
0x88: {  	[bflag:$0x0] =	sbarrier.arrive $0xFFFF;
	(pc) =	sbr.rel @p0 .LBB2_1-.Ltmp3, $4  }
0x89: {  	[hbm:s7], [sflag:s17] =	dma.local [spmem:s18], $0x2800  }
0x8a: {  	_ =	swait.ge [sflag:s14], $0x2800  }
0x8b: {  	[sflag:s14] =	ssyncset.done $0x0  }
0x8c: {  	[sflag:s14] =	ssyncadd.s32 $0xFFFFD800  }
0x8d: {  	_ =	sfence.sel $0x180000  }
0x8e: {  	[bflag:$0x0] =	sbarrier.arrive $0xFFFF  }
0x8f: {  	p0 =	sne.s32 s3, $0x0;
	_ =	strace $0x90000050  }
0x90: {  	s0 =	sadd.s32 @!p0 $0x100000, s0;
	[bflag:$0x2] =	sbarrier.arrive $0xFFFF  }
0x91: {  	[sflag:s0] =	ssyncadd.tile.s32 @!p0 $0x1;
	_ =	shalt  }
.Lfunc_end2:
_tile_overlayer_lowered:
.L_overlay_start_2:
0x92: {  	(tag) =	ssettag $0x2  }
0x93: {  	s0 =	rddreg [dreg:$0x0];
	s2 =	stileid.u32  }
0x94: {  	s1 =	rddreg [dreg:$0x1];
	p0 =	sne.s32 s2, $0x0  }
0x95: {  	s3 =	rddreg [dreg:$0x2];
	[bflag:$0x3] =	sbarrier.arrive $0xFFFF;
	s2 =	simm.s32 @!p0 $0x1C02  }
0x96: {  	[timem:s3], [sflag:s2] =	dma.local @!p0 [hbm:s0], s1  }
0x97: {  	s0 =	simm.s32 @!p0 $0x2  }
0x98: {  	_ =	swait.ge @!p0 [sflag:s0], s1  }
0x99: {  	s1 =	ssub.s32 @!p0 $0x0, s1;
	[sflag:s0] =	ssyncset.done @!p0 $0x0  }
0x9a: {  	[sflag:s0] =	ssyncadd.s32 @!p0 s1  }
0x9b: {  	[bflag:$0x3] =	sbarrier.arrive $0xFFFF  }
0x9c: {  	_ =	shalt  }

// kernel: kernel.9.cloned.1.call-start
scs
__scs_entry_jumppad:
0x0: {  	(pc) =	sbr.rel $0x88, $3  }
0x1: {  	(tag) =	ssettag $0x0;
	lr =	simm.s32 $0x1  }
0x2: {  	[smem:$0x3F9A] =	sst lr;
	_ =	strace $0xD0000000  }
0x3: {  	_ = 	snop  }
0x4: {  	_ = 	snop  }
0x5: {  	_ = 	snop  }
0x6: {  	_ = 	snop  }
0x7: {  	_ = 	snop  }
__scs_overlays_trampoline_lowered:
0x8: {  	[smem:$0x3FA9] =	sst s0  }
0x9: {  	[smem:$0x3FAA] =	sst s1  }
0xa: {  	[smem:$0x3FAB] =	sst s2  }
0xb: {  	[smem:$0x3FAC] =	sst s3  }
0xc: {  	[smem:$0x3FAD] =	sst s4  }
0xd: {  	[smem:$0x3FAE] =	sst s5  }
0xe: {  	[smem:$0x3FAF] =	sst s6  }
0xf: {  	[smem:$0x3FB0] =	sst s7  }
0x10: {  	[smem:$0x3FB1] =	sst s8  }
0x11: {  	[smem:$0x3FB2] =	sst s9;
	s0 =	simm.s32 @!p0 $0x0  }
0x12: {  	s1 =	sld [smem:$0x3F98];
	s0 =	simm.s32 @p0 $0x1  }
0x13: {  	[smem:$0x3FB3] =	sst s0;
	s0 =	simm.s32 @!p1 $0x0  }
0x14: {  	s2 =	sld [smem:$0x3F97];
	s0 =	simm.s32 @p1 $0x1  }
0x15: {  	[smem:$0x3FB4] =	sst s0;
	s0 =	simm.s32 @!p2 $0x0  }
0x16: {  	s3 =	sld [smem:$0x3FDB];
	s0 =	simm.s32 @p2 $0x1  }
0x17: {  	s4 =	simm.s32 $0x1BF5;
	[smem:$0x3FB6] =	sst s0  }
0x18: {  	s0 =	sld [smem:$0x3F99];
	_ =	swait.ge [sflag:s4], $0x0  }
0x19: {  	s7 =	sld [smem:$0x3F9A]  }
0x1a: {  	s8 =	sadd.s32 $0xFFFFE003, lr  }
0x1b: {  	s9 =	sadd.s32 $0xFFFFFEF7, lr;
	s5 =	simm.s32 $0xFFFFFFFF;
	p2 =	slt.u32 s8, $0xFFFFF086  }
0x1c: {  	p1 =	slt.u32 s9, $0xF7A;
	s5 =	simm.s32 @!p2 $0x0  }
0x1d: {  	s5 =	simm.s32 @p1 $0x1;
	p0 =	seq.s32 s7, s2  }
0x1e: {  	s7 =	smul.u32 @!p0 $0xF7A, s2;
	p2 =	seq.s32 @!p0 s5, $0x0  }
0x1f: {  	s9 =	smul.u32 $0xF7A, s1;
	s8 =	simm.s32 @!p0 $0x1BF5;
	p2 =	por !p2, p0  }
0x20: {  	[sflag:s8] =	ssyncset.s32 @!p0 $0xFFFFF086;
	s6 =	sadd.s32 @!p0 s3, s7;
	s7 =	simm.s32 @!p0 $0x108  }
0x21: {  	s3 =	sadd.s32 s3, s9;
	s6 =	sadd.s32 @!p0 $0x88, s6;
	s7 =	simm.s32 @p2 $0x1082  }
0x22: {  	[simem:s7], [sflag:s8] =	dma.local @!p0 [hbm:s6], $0xF7A  }
0x23: {  	s9 =	sor.u32 $0xD0000000, s2;
	s6 =	simm.s32 $0x108;
	_ =	swait.ge @!p0 [sflag:s8], $0x0  }
0x24: {  	s3 =	sadd.s32 $0x88, s3;
	s6 =	simm.s32 @!p1 $0x1082;
	[sflag:s4] =	ssyncset.s32 $0xFFFFF086  }
0x25: {  	[simem:s6], [sflag:s4] =	dma.local [hbm:s3], $0xF7A  }
0x26: {  	[smem:$0x3F9A] =	sst s1;
	(tag) =	ssettag s2;
	_ =	strace s9  }
0x27: {  	s1 =	sld [smem:$0x3FAA]  }
0x28: {  	s2 =	sld [smem:$0x3FAB]  }
0x29: {  	s4 =	sld [smem:$0x3FAD]  }
0x2a: {  	p0 =	seq.s32 s5, $0x0;
	s5 =	sld [smem:$0x3FAE]  }
0x2b: {  	s6 =	sld [smem:$0x3FAF]  }
0x2c: {  	s7 =	sld [smem:$0x3FB0]  }
0x2d: {  	s3 =	simm.s32 $0x108;
	s8 =	sld [smem:$0x3FB1]  }
0x2e: {  	s3 =	simm.s32 @!p0 $0x1082;
	s9 =	sld [smem:$0x3FB2]  }
0x2f: {  	lr =	sadd.s32 s0, s3;
	s0 =	sld [smem:$0x3FA9]  }
0x30: {  	s3 =	sld [smem:$0x3FAC]  }
0x31: {  	[smem:$0x3FB5] =	sst s10  }
0x32: {  	s10 =	sld [smem:$0x3FB3];
	_ =	sdelay $0x3  }
0x33: {  	p0 =	seq.s32 s10, $0x1;
	s10 =	sld [smem:$0x3FB5];
	_ =	sdelay $0x3  }
0x34: {  	[smem:$0x3FB5] =	sst s10  }
0x35: {  	s10 =	sld [smem:$0x3FB4];
	_ =	sdelay $0x3  }
0x36: {  	p1 =	seq.s32 s10, $0x1;
	s10 =	sld [smem:$0x3FB5];
	_ =	sdelay $0x3  }
0x37: {  	[smem:$0x3FB5] =	sst s10  }
0x38: {  	s10 =	sld [smem:$0x3FB6]  }
0x39: {  	_ = 	snop;
	(pc) =	sbr.ind lr, $3  }
0x3a: {  	_ = 	snop  }
0x3b: {  	_ = 	snop  }
0x3c: {  	p2 =	seq.s32 s10, $0x1;
	s10 =	sld [smem:$0x3FB5]  }
0x3d: {  	_ =	shalt  }
0x3e: {  	_ =	shalt  }
0x3f: {  	_ =	shalt  }
0x40: {  	_ =	shalt  }
0x41: {  	_ =	shalt  }
0x42: {  	_ =	shalt  }
0x43: {  	_ =	shalt  }
0x44: {  	_ =	shalt  }
0x45: {  	_ =	shalt  }
0x46: {  	_ =	shalt  }
0x47: {  	_ =	shalt  }
0x48: {  	_ =	shalt  }
0x49: {  	_ =	shalt  }
0x4a: {  	_ =	shalt  }
0x4b: {  	_ =	shalt  }
0x4c: {  	_ =	shalt  }
0x4d: {  	_ =	shalt  }
0x4e: {  	_ =	shalt  }
0x4f: {  	_ =	shalt  }
0x50: {  	_ =	shalt  }
0x51: {  	_ =	shalt  }
0x52: {  	_ =	shalt  }
0x53: {  	_ =	shalt  }
0x54: {  	_ =	shalt  }
0x55: {  	_ =	shalt  }
0x56: {  	_ =	shalt  }
0x57: {  	_ =	shalt  }
0x58: {  	_ =	shalt  }
0x59: {  	_ =	shalt  }
0x5a: {  	_ =	shalt  }
0x5b: {  	_ =	shalt  }
0x5c: {  	_ =	shalt  }
0x5d: {  	_ =	shalt  }
0x5e: {  	_ =	shalt  }
0x5f: {  	_ =	shalt  }
0x60: {  	_ =	shalt  }
0x61: {  	_ =	shalt  }
0x62: {  	_ =	shalt  }
0x63: {  	_ =	shalt  }
0x64: {  	_ =	shalt  }
0x65: {  	_ =	shalt  }
0x66: {  	_ =	shalt  }
0x67: {  	_ =	shalt  }
0x68: {  	_ =	shalt  }
0x69: {  	_ =	shalt  }
0x6a: {  	_ =	shalt  }
0x6b: {  	_ =	shalt  }
0x6c: {  	_ =	shalt  }
0x6d: {  	_ =	shalt  }
0x6e: {  	_ =	shalt  }
0x6f: {  	_ =	shalt  }
0x70: {  	_ =	shalt  }
0x71: {  	_ =	shalt  }
0x72: {  	_ =	shalt  }
0x73: {  	_ =	shalt  }
0x74: {  	_ =	shalt  }
0x75: {  	_ =	shalt  }
0x76: {  	_ =	shalt  }
0x77: {  	_ =	shalt  }
0x78: {  	_ =	shalt  }
0x79: {  	_ =	shalt  }
0x7a: {  	_ =	shalt  }
0x7b: {  	_ =	shalt  }
0x7c: {  	_ =	shalt  }
0x7d: {  	_ =	shalt  }
0x7e: {  	_ =	shalt  }
0x7f: {  	_ =	shalt  }
0x80: {  	_ =	shalt  }
0x81: {  	_ =	shalt  }
0x82: {  	_ =	shalt  }
0x83: {  	_ =	shalt  }
0x84: {  	_ =	shalt  }
0x85: {  	_ =	shalt  }
0x86: {  	_ =	shalt  }
0x87: {  	_ =	shalt  }
.Lfunc_end0:
.L_simem_size_0:
called_computation_lowered:
.L_overlay_start_0:
0x88: {  	s2 =	sld [smem:$0x3FD9]  }
0x89: {  	s3 =	sld [smem:$0x3FFE];
	_ =	sdelay $0x1  }
0x8a: {  	s1 =	srdreg.scid  }
0x8b: {  	s0 =	sand.u32 $0x1, s1  }
0x8c: {  	s17 =	sshll.u32 s0, $0xA;
	s2 =	sadd.s32 s3, s2  }
0x8d: {  	s2 =	sadd.s32 s2, s17  }
0x8e: {  	[smem:$0x3FC1] =	sst s2  }
0x8f: {  	_ = 	snop  }
0x90: {  	s2 =	sld [smem:$0x3FD0];
	(tm) =	ssettm $0x1  }
0x91: {  	s18 =	sld [smem:$0x3FFB];
	_ =	sdelay $0x3  }
0x92: {  	_ =	strace s18  }
0x93: {  	s3 =	sld [smem:$0x3FFC];
	_ =	sdelay $0x3  }
0x94: {  	_ =	strace s3  }
0x95: {  	s3 =	sld [smem:$0x3FFD];
	_ =	sdelay $0x3  }
0x96: {  	_ =	strace s3  }
0x97: {  	_ =	strace $0x8FFFFFFF  }
0x98: {  	s19 =	sld [smem:$0x3FDB];
	_ =	sdelay $0x1  }
0x99: {  	s4 =	simm.s32 $_scs_section_size  }
0x9a: {  	s5 =	simm.s32 $_size__tile_overlayer_lowered;
	s6 =	simm.s32 $_tile_overlayer_lowered  }
0x9b: {  	s22 =	simm.s32 $0x1BFF;
	s21 =	sshll.u32 s6, $0x1;
	s3 =	sadd.s32 s4, s19  }
0x9c: {  	s7 =	simm.s32 $0x0;
	s20 =	sshll.u32 s5, $0x1;
	s5 =	sadd.s32 s21, s3  }
0x9d: {  	[timem:s7], [sflag:s22] =	dma.local [hbm:s5], s20  }
0x9e: {  	_ =	swait.ge [sflag:s22], s20  }
0x9f: {  	s4 =	ssub.s32 $0x0, s20;
	[sflag:s22] =	ssyncset.done $0x0  }
0xa0: {  	[sflag:s22] =	ssyncadd.s32 s4;
	_ =	sdelay $0x1  }
0xa1: {  	s23 =	simm.s32 $0x1B8B  }
0xa2: {  	_ =	swait.ge [sflag:s23], $0x1  }
0xa3: {  	[sflag:s23] =	ssyncset.done $0x0  }
0xa4: {  	s25 =	simm.s32 $0x1B8E;
	s24 =	sld [smem:$0x3FFE];
	[sflag:s23] =	ssyncadd.s32 $0xFFFFFFFF  }
0xa5: {  	s26 =	simm.s32 $execute0_lowered;
	[smem:$0x3FD2] =	sst s25  }
0xa6: {  	s5 =	sshll.u32 s26, $0x1;
	_ =	strace $0x80000046;
	[dreg:$0x1] =	wrdreg $0xFFFFFFFF  }
0xa7: {  	s28 =	simm.s32 $_size_execute0_lowered;
	s3 =	sadd.s32 s3, s5;
	[dreg:$0x0] =	wrdreg $0x0  }
0xa8: {  	s5 =	sshll.u32 s28, $0x1;
	[dreg:$0x2] =	wrdreg s3  }
0xa9: {  	[dreg:$0x3] =	wrdreg s5  }
0xaa: {  	[dreg:$0x4] =	wrdreg $0xC0  }
0xab: {  	_ =	task [dreg:s7], $0x5FFFF  }
0xac: {  	[dreg:$0x1] =	wrdreg $0xFFFFFFFF  }
0xad: {  	[dreg:$0x0] =	wrdreg $0x60  }
0xae: {  	[dreg:$0x2] =	wrdreg s2  }
0xaf: {  	[dreg:$0x3] =	wrdreg s24  }
0xb0: {  	[dreg:$0x4] =	wrdreg $0x9  }
0xb1: {  	_ =	task.clear_ibuf [dreg:s7], $0x5FFFF;
	_ =	strace $0x90000046  }
0xb2: {  	s29 =	simm.s32 $0x9;
	_ =	strace $0x80000048  }
0xb3: {  	_ =	swait.ge [sflag:s29], $0x1  }
0xb4: {  	[sflag:s29] =	ssyncadd.s32 $0xFFFFFFFF  }
0xb5: {  	_ =	strace $0x90000048  }
0xb6: {  	_ =	sfence  }
0xb7: {  	s30 =	sld [smem:$0x0];
	_ =	sdelay $0x2  }
0xb8: {  	s31 =	sshll.u32 s1, $0xD;
	s1 =	sshrl.u32 s1, $0x2  }
0xb9: {  	s3 =	sand.u32 $0x4000, s31;
	s1 =	sadd.s32 s1, s30  }
0xba: {  	s0 =	sor.u32 s3, s0;
	s1 =	sshll.u32 s1, $0x11  }
0xbb: {  	s0 =	sor.u32 s1, s0  }
0xbc: {  	s0 =	sadd.s32 $0x8F2B, s0  }
0xbd: {  	[sflag:s0] =	ssyncadd.remote.s32 $0x1  }
0xbe: {  	_ =	sfence.sel $0xFFFF  }
0xbf: {  	[dreg:$0x0] =	wrdreg $0xFFFFFFFF;
	(pc) =	sbr.abs _section_cstart, $3  }
0xc0: {  	[dreg:$0x1] =	wrdreg $0xFFFFFFFF  }
0xc1: {  	_ =	task.clear_ibuf [dreg:s7], $0x2FFFF;
	_ =	strace $0x9FFFFFFF  }
0xc2: {  	(tm) =	ssettm $0x7FFFFFFF  }
0xc3: {  	_ =	shalt  }
tec
execute0_lowered:
.L_overlay_start_1:
0x0: {  	(tag) =	ssettag $0x1  }
0x1: {  	s0 =	srdreg.scid  }
0x2: {  	s3 =	sand.u32 $0x1, s0  }
0x3: {  	s4 =	rddreg [dreg:$0x0];
	s0 =	stileid.u32;
	s1 =	sshll.u32 s3, $0x4  }
0x4: {  	s5 =	rddreg [dreg:$0x1];
	s1 =	sor.u32 s0, s1  }
0x5: {  	s2 =	simm.s32 $0x0;
	s8 =	simm.s32 $0x1;
	s1 =	sshrl.u32 s1, $0x3  }
0x6: {  	s9 =	simm.s32 $0x2800;
	s7 =	sshll.u32 s0, $0x7;
	s6 =	smul.u32 $0x14000, s1  }
0x7: {  	[smem:$0x7FF] =	sst s2;
	s3 =	ssub.s32 $0x2, s3;
	s7 =	sand.u32 $0x380, s7  }
0x8: {  	s31 =	sshrl.u32 s3, $0x1;
	s1 =	rddreg [dreg:$0x2];
	s6 =	sor.u32 s7, s6  }
0x9: {  	_ =	strace $0x80000047;
	s7 =	ssub.s32 s3, s31;
	s6 =	sshrl.u32 s6, $0x3  }
0xa: {  	s5 =	sadd.s32 s6, s5;
	s3 =	sadd.s32 s4, s6;
	s6 =	simm.s32 $0x80  }
0xb: {  	v0 =	vimm.f32 $0.0e+00;
	v1 =	vimm.f32 $1.000000000e+00;
	s4 =	sadd.s32 $0xD000, s5;
	s5 =	smax.u32 s7, $0x1;
	s7 =	simm.s32 $0x400  }
.LBB2_1:
0xc: {  	s10 =	simm.s32 $0x40;
	s11 =	simm.s32 $0x0  }
.LBB2_2:
0xd: {  	p0 =	sne.s32 s10, $0x9FC0;
	[tilespmem:s11+$0x2800] =	vst v0;
	s11 =	smov.u32 s10;
	s10 =	sadd.s32 $0x40, s10  }
.Ltmp0:
0xe: {  	(pc) =	sbr.rel @p0 .LBB2_2-.Ltmp0, $2  }
0xf: {  	_ =	sdelay $0x2  }
0x10: {  	s11 =	sshra.s32 s11, $0x2  }
0x11: {  	[tilespmem:s11+$0x2800] =	vst v0;
	s10 =	simm.s32 $0x0  }
0x12: {  	[tilespmem:s10], [sflag:$0x1] =	stream.strided.gather [hbm4b:s3+s6], $0x2800, s7, s6, $0x38;
	[tilespmem:$0x5000] =	vst v63  }
0x13: {  	_ =	swait.ge [sflag:s8], $0x2800  }
0x14: {  	[sflag:s8] =	ssyncset.done $0x0  }
0x15: {  	s11 =	simm.s32 $0x0;
	s10 =	simm.s32 $0x40;
	[sflag:s8] =	ssyncadd.s32 $0xFFFFD800  }
.LBB2_4:
0x16: {  	p0 =	sne.s32 s10, $0x9FC0;
	v2 =	vld [tilespmem:s11+$0x0];
	_ =	sdelay $0x4  }
0x17: {  	v2 =	vshra.s32 v2, $0xE  }
.Ltmp1:
0x18: {  	(pc) =	sbr.rel @p0 .LBB2_4-.Ltmp1, $2  }
0x19: {  	_ =	sdelay $0x2  }
0x1a: {  	s11 =	sshra.s32 s10, $0x2;
	s10 =	sadd.s32 $0x40, s10;
	[tilespmem:v2+s9+$0x0] =	vst.idx.add.f32.msk $0xffff, v1  }
0x1b: {  	v2 =	vld [tilespmem:s11+$0x0];
	_ =	sdelay $0x4  }
0x1c: {  	v2 =	vshra.s32 v2, $0xE;
	_ =	sdelay $0x2  }
0x1d: {  	s2 =	sadd.s32 $0x1, s2  }
0x1e: {  	p0 =	sne.s32 s2, s5  }
.Ltmp2:
0x1f: {  	[tilespmem:v2+s9+$0x0] =	vst.idx.add.f32.msk $0xffff, v1;
	(pc) =	sbr.rel @p0 .LBB2_1-.Ltmp2, $4  }
0x20: {  	[hbm4b:s4+s6] =	stream.strided.scatter [tilespmem:s9], [sflag:$0x1], $0x2800, s7, s6, $0x38;
	[tilespmem:$0x5000] =	vst v63  }
0x21: {  	_ =	swait.ge [sflag:s8], $0x2800  }
0x22: {  	[sflag:s8] =	ssyncset.done $0x0  }
0x23: {  	[sflag:s8] =	ssyncadd.s32 $0xFFFFD800  }
0x24: {  	_ =	sfence.sel $0x180000  }
0x25: {  	[bflag:$0x0] =	sbarrier.arrive $0xFFFF  }
0x26: {  	p0 =	sne.s32 s0, $0x0;
	_ =	strace $0x90000047  }
0x27: {  	s0 =	sadd.s32 @!p0 $0x100000, s1;
	[bflag:$0x2] =	sbarrier.arrive $0xFFFF  }
0x28: {  	[sflag:s0] =	ssyncadd.tile.s32 @!p0 $0x1;
	_ =	shalt  }
.Lfunc_end2:
_tile_overlayer_lowered:
.L_overlay_start_2:
0x29: {  	(tag) =	ssettag $0x2  }
0x2a: {  	s0 =	rddreg [dreg:$0x0];
	s2 =	stileid.u32  }
0x2b: {  	s1 =	rddreg [dreg:$0x1];
	p0 =	sne.s32 s2, $0x0  }
0x2c: {  	s3 =	rddreg [dreg:$0x2];
	[bflag:$0x3] =	sbarrier.arrive $0xFFFF;
	s2 =	simm.s32 @!p0 $0x1C01  }
0x2d: {  	[timem:s3], [sflag:s2] =	dma.local @!p0 [hbm:s0], s1  }
0x2e: {  	s0 =	simm.s32 @!p0 $0x1  }
0x2f: {  	_ =	swait.ge @!p0 [sflag:s0], s1  }
0x30: {  	s1 =	ssub.s32 @!p0 $0x0, s1;
	[sflag:s0] =	ssyncset.done @!p0 $0x0  }
0x31: {  	[sflag:s0] =	ssyncadd.s32 @!p0 s1  }
0x32: {  	[bflag:$0x3] =	sbarrier.arrive $0xFFFF  }
0x33: {  	_ =	shalt  }

</sc_bundles>
